<compile_context>
chip_gen: v7x
topology: tpu7x:2x2x1
jax: 0.10.2.dev20260603
libtpu: 0.0.44.dev20260713+nightly
codegen_flags: <defaults>
</compile_context>

<pallas_src>
import functools

import jax
import jax.numpy as jnp
from jax import lax
from jax.experimental import pallas as pl
from jax.experimental.pallas import tpu as pltpu
from jax.experimental.pallas import tpu_sc as plsc

N = 10000
E = 320000
HID = 128
FIL = 128
NG = 50

NC = 2
NS = 16
NW = NC * NS
EPW = E // NW
C = 40
NCH = EPW // C
NSLAB = 5
CPS = NCH // NSLAB
RB = 40
NRB = N // RB
MAXT = (NRB + NS - 1) // NS


def _mlp2_body(pack_out, lhs_t, x_ref, w1_ref, b1_ref, w2_ref, b2_ref, o_ref):
    if lhs_t:
        t = jax.lax.dot_general(
            x_ref[...].astype(w1_ref.dtype), w1_ref[...],
            (((0,), (0,)), ((), ())), preferred_element_type=jnp.float32)
    else:
        t = jnp.dot(x_ref[...], w1_ref[...], preferred_element_type=jnp.float32)
    t = t + b1_ref[...]
    t = (0.5 * t) * (jnp.tanh(t * 0.5) + 1.0)
    t = t.astype(w2_ref.dtype)
    o = jnp.dot(t, w2_ref[...], preferred_element_type=jnp.float32) + b2_ref[...]
    if not pack_out:
        o_ref[...] = o
        return
    f2 = o.shape[-1]
    a = jax.lax.bitcast_convert_type(o[:, : f2 // 2].astype(jnp.bfloat16), jnp.uint16)
    b = jax.lax.bitcast_convert_type(o[:, f2 // 2 :].astype(jnp.bfloat16), jnp.uint16)
    word = a.astype(jnp.uint32) | (b.astype(jnp.uint32) << 16)
    o_ref[...] = jax.lax.bitcast_convert_type(word, jnp.float32)


def _mlp2(x, w1, b1, w2, b2, bm, pack_out, lhs_t=False):
    if lhs_t:
        k, m = x.shape
        x_spec = pl.BlockSpec((k, bm), lambda i: (0, i))
    else:
        m, k = x.shape
        x_spec = pl.BlockSpec((bm, k), lambda i: (i, 0))
    f1 = w1.shape[1]
    f2 = w2.shape[1]
    fo = f2 // 2 if pack_out else f2
    return pl.pallas_call(
        functools.partial(_mlp2_body, pack_out, lhs_t),
        grid=(m // bm,),
        in_specs=[
            x_spec,
            pl.BlockSpec((k, f1), lambda i: (0, 0)),
            pl.BlockSpec((1, f1), lambda i: (0, 0)),
            pl.BlockSpec((f1, f2), lambda i: (0, 0)),
            pl.BlockSpec((1, f2), lambda i: (0, 0)),
        ],
        out_specs=pl.BlockSpec((bm, fo), lambda i: (i, 0)),
        out_shape=jax.ShapeDtypeStruct((m, fo), jnp.float32),
    )(x, w1, b1, w2, b2)


def _out_mlp_body(h_ref, agg_ref, w1_ref, b1_ref, w2_ref, b2_ref, o_ref):
    agg = agg_ref[0] + agg_ref[1]
    t = jnp.dot(agg, w1_ref[...], preferred_element_type=jnp.float32) + b1_ref[...]
    t = (0.5 * t) * (jnp.tanh(t * 0.5) + 1.0)
    o_ref[...] = h_ref[...] + jnp.dot(t, w2_ref[...], preferred_element_type=jnp.float32) + b2_ref[...]


def _out_mlp(h, agg2, w1, b1, w2, b2, bm):
    m = h.shape[0]
    return pl.pallas_call(
        _out_mlp_body,
        grid=(m // bm,),
        in_specs=[
            pl.BlockSpec((bm, HID), lambda i: (i, 0)),
            pl.BlockSpec((NC, bm, FIL), lambda i: (0, i, 0)),
            pl.BlockSpec((FIL, HID), lambda i: (0, 0)),
            pl.BlockSpec((1, HID), lambda i: (0, 0)),
            pl.BlockSpec((HID, HID), lambda i: (0, 0)),
            pl.BlockSpec((1, HID), lambda i: (0, 0)),
        ],
        out_specs=pl.BlockSpec((bm, HID), lambda i: (i, 0)),
        out_shape=jax.ShapeDtypeStruct((m, HID), jnp.float32),
    )(h, agg2, w1, b1, w2, b2)


@functools.partial(
    pl.kernel,
    mesh=plsc.VectorSubcoreMesh(core_axis_name="c", subcore_axis_name="s"),
    compiler_params=pltpu.CompilerParams(needs_layout_passes=False),
    out_type=jax.ShapeDtypeStruct((NC, N, FIL), jnp.float32),
    scratch_types=[
        pltpu.VMEM((CPS, C), jnp.int32),
        pltpu.VMEM((CPS, C), jnp.int32),
        pltpu.VMEM((C, FIL), jnp.float32),
        pltpu.VMEM((C, FIL), jnp.float32),
        pltpu.VMEM((C, FIL), jnp.float32),
        pltpu.VMEM((C, FIL // 2), jnp.float32),
        pltpu.VMEM((C, FIL // 2), jnp.float32),
        pltpu.VMEM((C, FIL // 2), jnp.float32),
        pltpu.VMEM_SHARED((N, FIL), jnp.float32),
        pltpu.SemaphoreType.DMA,
        pltpu.SemaphoreType.DMA,
        pltpu.SemaphoreType.DMA,
        pltpu.SemaphoreType.DMA,
        pltpu.SemaphoreType.DMA,
        pltpu.SemaphoreType.DMA,
        pltpu.SemaphoreType.DMA,
        pltpu.SemaphoreType.DMA,
        pltpu.SemaphoreType.DMA,
    ],
)
def _sc_agg(x_hbm, w_hbm, src_hbm, dst_hbm, out_hbm,
            src_v, dst_v, gx0, gx1, gx2, gw0, gw1, gw2, agg_sh,
            sem_g0, sem_g1, sem_g2, sem_w0, sem_w1, sem_w2,
            sem_s0, sem_s1, sem_s2):
    c = lax.axis_index("c")
    s = lax.axis_index("s")
    wid = s * NC + c

    def _wslice(sl, j):
        return w_hbm.at[pl.ds(((wid * NSLAB + sl) * CPS + j) * C, C)]

    def _mul(gx, gw):
        half = FIL // 2

        def _row(i, carry):
            for g in range(half // 16):
                wv = plsc.bitcast(gw[i, pl.ds(16 * g, 16)], jnp.bfloat16)
                wa, wb = plsc.unpack(wv, format=plsc.PackFormat.INTERLEAVED)
                gx[i, pl.ds(16 * g, 16)] = wa * gx[i, pl.ds(16 * g, 16)]
                gx[i, pl.ds(half + 16 * g, 16)] = wb * gx[i, pl.ds(half + 16 * g, 16)]
            return carry

        lax.fori_loop(0, C, _row, 0)

    def _zero_buf(i, carry):
        for cc in range(FIL // 16):
            gx0[i, pl.ds(cc * 16, 16)] = jnp.zeros((16,), jnp.float32)
        return carry

    lax.fori_loop(0, RB, _zero_buf, 0)

    def _zero_stripe(t, carry):
        idx = s + t * NS

        @pl.when(idx < NRB)
        def _():
            pltpu.sync_copy(gx0, agg_sh.at[pl.ds(idx * RB, RB)])

        return carry

    lax.fori_loop(0, MAXT, _zero_stripe, 0)
    plsc.subcore_barrier()

    SETS = ((gx0, gw0, sem_g0, sem_w0, sem_s0),
            (gx1, gw1, sem_g1, sem_w1, sem_s1),
            (gx2, gw2, sem_g2, sem_w2, sem_s2))

    def _slab(sl, carry):
        pltpu.sync_copy(src_hbm.at[wid, sl], src_v)
        pltpu.sync_copy(dst_hbm.at[wid, sl], dst_v)
        for r in range(2):
            gxr, gwr, gr, wr_, _ = SETS[r]
            pltpu.async_copy(x_hbm.at[src_v.at[r]], gxr, gr)
            pltpu.async_copy(_wslice(sl, r), gwr, wr_)

        def _chunk(j, carry1):
            for r in range(3):

                @pl.when(j % 3 == r)
                def _(r=r):
                    gxr, gwr, gr, wr_, sr = SETS[r]
                    gxn, gwn, gn, wn_, sn = SETS[(r + 2) % 3]
                    pltpu.make_async_copy(x_hbm.at[src_v.at[j]], gxr, gr).wait()
                    pltpu.make_async_copy(_wslice(sl, j), gwr, wr_).wait()
                    _mul(gxr, gwr)
                    pltpu.async_copy(gxr, agg_sh.at[dst_v.at[j]], sr, add=True)

                    @pl.when(j + 2 < CPS)
                    def _():
                        @pl.when(j >= 1)
                        def _():
                            pltpu.make_async_copy(
                                gxn, agg_sh.at[dst_v.at[0]], sn).wait()

                        pltpu.async_copy(x_hbm.at[src_v.at[j + 2]], gxn, gn)
                        pltpu.async_copy(_wslice(sl, j + 2), gwn, wn_)

            return carry1

        lax.fori_loop(0, CPS, _chunk, 0)
        for r in range(3):
            gxr, _, _, _, sr = SETS[r]
            pltpu.make_async_copy(gxr, agg_sh.at[dst_v.at[0]], sr).wait()
        return carry

    lax.fori_loop(0, NSLAB, _slab, 0)
    plsc.subcore_barrier()

    def _writeback(t, carry):
        idx = s + t * NS

        @pl.when(idx < NRB)
        def _():
            row = idx * RB
            pltpu.sync_copy(agg_sh.at[pl.ds(row, RB)], gx0)
            pltpu.sync_copy(gx0, out_hbm.at[c, pl.ds(row, RB)])

        return carry

    lax.fori_loop(0, MAXT, _writeback, 0)


def kernel(h, edge_index, dist_feat, fw1, fb1, fw2, fb2, aw1, ab1, aw2, ab2, ow1, ob1, ow2, ob2):
    src = edge_index[0].astype(jnp.int32).reshape(NW, NSLAB, CPS, C)
    dst = edge_index[1].astype(jnp.int32).reshape(NW, NSLAB, CPS, C)

    bf = jnp.bfloat16
    x = _mlp2(h.astype(bf), aw1.astype(bf), ab1.reshape(1, -1),
              aw2.astype(bf), ab2.reshape(1, -1), bm=2000, pack_out=False)
    w = _mlp2(dist_feat.T, fw1.astype(bf), fb1.reshape(1, -1),
              fw2.astype(bf), fb2.reshape(1, -1), bm=6400, pack_out=True,
              lhs_t=True)

    agg2 = _sc_agg(x, w, src, dst)

    return _out_mlp(h, agg2, ow1, ob1.reshape(1, -1), ow2, ob2.reshape(1, -1), bm=1000)

# --- scband reference (transcript-rebuilt; emitter-appended) ---
"""Pipeline reference for scband-sch-net-interaction-54039278518702 (READ-ONLY COPY).

The authoritative reference and input builder live on the scoring server;
editing this copy changes nothing except your own understanding.
"""

import jax, jax.numpy as jnp
import numpy as np

N = 10000
E = 320000
HID = 128
FIL = 128
NG = 50

def setup_inputs(seed: int = 0) -> dict:
    key = jax.random.key(seed)
    ks = jax.random.split(key, 16)
    def lin(k, fan_in, fan_out):
        bound = 1.0 / np.sqrt(fan_in)
        kw, kb = jax.random.split(k)
        w = jax.random.uniform(kw, (fan_in, fan_out), jnp.float32, -bound, bound)
        b = jax.random.uniform(kb, (fan_out,), jnp.float32, -bound, bound)
        return w, b
    h = jax.random.normal(ks[0], (N, HID), jnp.float32)
    edge_index = jax.random.randint(ks[1], (2, E), 0, N, jnp.int64)
    dist_feat = jax.random.uniform(ks[2], (E, NG), jnp.float32)
    fw1, fb1 = lin(ks[3], NG, FIL)
    fw2, fb2 = lin(ks[4], FIL, FIL)
    aw1, ab1 = lin(ks[5], HID, FIL)
    aw2, ab2 = lin(ks[6], FIL, FIL)
    ow1, ob1 = lin(ks[7], FIL, HID)
    ow2, ob2 = lin(ks[8], HID, HID)
    return {"h": h, "edge_index": edge_index, "dist_feat": dist_feat,
            "fw1": fw1, "fb1": fb1, "fw2": fw2, "fb2": fb2,
            "aw1": aw1, "ab1": ab1, "aw2": aw2, "ab2": ab2,
            "ow1": ow1, "ob1": ob1, "ow2": ow2, "ob2": ob2}

def reference(h, edge_index, dist_feat, fw1, fb1, fw2, fb2, aw1, ab1, aw2, ab2, ow1, ob1, ow2, ob2):
    src = edge_index[0]
    dst = edge_index[1]
    W = jax.nn.silu(dist_feat @ fw1 + fb1) @ fw2 + fb2
    x = jax.nn.silu(h @ aw1 + ab1) @ aw2 + ab2
    msg = W * jnp.take(x, src, axis=0)
    agg = jax.ops.segment_sum(msg, dst, num_segments=h.shape[0])
    out = h + (jax.nn.silu(agg @ ow1 + ob1) @ ow2 + ob2)
    return out

if __name__ == "__main__":
    import jax
    _d = setup_inputs()
    print(jax.jit(kernel)(*tuple(_d.values())))

</pallas_src>

<mosaic_0001>
#map = affine_map<(d0, d1) -> (0, 0)>
#map1 = affine_map<(d0, d1) -> (0, 0, 0, 0)>
#map2 = affine_map<(d0, d1) -> (0, 0, 0)>
module attributes {stable_mosaic.version = 14 : i64} {
  func.func @_sc_agg(%arg0: i32, %arg1: i32, %arg2: memref<10000x128xf32, #tpu.memory_space<hbm>>, %arg3: memref<320000x64xf32, #tpu.memory_space<hbm>>, %arg4: memref<32x5x50x40xi32, #tpu.memory_space<hbm>>, %arg5: memref<32x5x50x40xi32, #tpu.memory_space<hbm>>, %arg6: memref<2x10000x128xf32, #tpu.memory_space<hbm>>, %arg7: memref<50x40xi32, #tpu.memory_space<vmem>>, %arg8: memref<50x40xi32, #tpu.memory_space<vmem>>, %arg9: memref<40x128xf32, #tpu.memory_space<vmem>>, %arg10: memref<40x128xf32, #tpu.memory_space<vmem>>, %arg11: memref<40x128xf32, #tpu.memory_space<vmem>>, %arg12: memref<40x64xf32, #tpu.memory_space<vmem>>, %arg13: memref<40x64xf32, #tpu.memory_space<vmem>>, %arg14: memref<40x64xf32, #tpu.memory_space<vmem>>, %arg15: memref<10000x128xf32, #tpu.memory_space<vmem_shared>>, %arg16: memref<!tpu.dma_semaphore, #tpu.memory_space<semaphore_mem>>, %arg17: memref<!tpu.dma_semaphore, #tpu.memory_space<semaphore_mem>>, %arg18: memref<!tpu.dma_semaphore, #tpu.memory_space<semaphore_mem>>, %arg19: memref<!tpu.dma_semaphore, #tpu.memory_space<semaphore_mem>>, %arg20: memref<!tpu.dma_semaphore, #tpu.memory_space<semaphore_mem>>, %arg21: memref<!tpu.dma_semaphore, #tpu.memory_space<semaphore_mem>>, %arg22: memref<!tpu.dma_semaphore, #tpu.memory_space<semaphore_mem>>, %arg23: memref<!tpu.dma_semaphore, #tpu.memory_space<semaphore_mem>>, %arg24: memref<!tpu.dma_semaphore, #tpu.memory_space<semaphore_mem>>) attributes {dimension_semantics = [#tpu.dimension_semantics<core_parallel>, #tpu.dimension_semantics<subcore_parallel>], iteration_bounds = array<i64: 2, 16>, scalar_prefetch = 0 : i64, scratch_operands = 18 : i64, tpu.core_type = #tpu.core_type<sc_vector_subcore>, window_params = [{transform_indices = #map}, {transform_indices = #map}, {transform_indices = #map1}, {transform_indices = #map1}, {transform_indices = #map2}]} {
    %mul3A = arith.constant 2 : i32
    %mul3A_0 = arith.muli %arg1, %mul3A : i32
    %add3A = arith.addi %mul3A_0, %arg0 : i32
    %scan3A = arith.constant 0 : i32
    %scan3A_1 = arith.constant 0 : i32
    %scan3A_2 = arith.constant 40 : i32
    %scan3A_3 = arith.addi %scan3A_1, %scan3A_2 : i32
    %scan3A_4 = arith.constant 1 : i32
    scf.for %scan3A_25 = %scan3A_1 to %scan3A_3 step %scan3A_4  : i32 {
      %broadcast_in_dim3A = arith.constant 0.000000e+00 : f32
      %broadcast_in_dim3A_26 = vector.broadcast %broadcast_in_dim3A : f32 to vector<16xf32>
      %swap3A = arith.index_cast %scan3A_25 : i32 to index
      %swap3A_27 = arith.constant 0 : index
      %swap3A_28 = tpu.vector_load %arg9[%swap3A, %swap3A_27] {strides = array<i32>} : memref<40x128xf32, #tpu.memory_space<vmem>>, vector<16xf32>,
      tpu.vector_store %arg9[%swap3A, %swap3A_27], %broadcast_in_dim3A_26 {strides = array<i32>} : memref<40x128xf32, #tpu.memory_space<vmem>>, vector<16xf32>,
      %broadcast_in_dim3A_29 = arith.constant 0.000000e+00 : f32
      %broadcast_in_dim3A_30 = vector.broadcast %broadcast_in_dim3A_29 : f32 to vector<16xf32>
      %swap3A_31 = arith.index_cast %scan3A_25 : i32 to index
      %swap3A_32 = arith.constant 16 : index
      %swap3A_33 = tpu.vector_load %arg9[%swap3A_31, %swap3A_32] {strides = array<i32>} : memref<40x128xf32, #tpu.memory_space<vmem>>, vector<16xf32>,
      tpu.vector_store %arg9[%swap3A_31, %swap3A_32], %broadcast_in_dim3A_30 {strides = array<i32>} : memref<40x128xf32, #tpu.memory_space<vmem>>, vector<16xf32>,
      %broadcast_in_dim3A_34 = arith.constant 0.000000e+00 : f32
      %broadcast_in_dim3A_35 = vector.broadcast %broadcast_in_dim3A_34 : f32 to vector<16xf32>
      %swap3A_36 = arith.index_cast %scan3A_25 : i32 to index
      %swap3A_37 = arith.constant 32 : index
      %swap3A_38 = tpu.vector_load %arg9[%swap3A_36, %swap3A_37] {strides = array<i32>} : memref<40x128xf32, #tpu.memory_space<vmem>>, vector<16xf32>,
      tpu.vector_store %arg9[%swap3A_36, %swap3A_37], %broadcast_in_dim3A_35 {strides = array<i32>} : memref<40x128xf32, #tpu.memory_space<vmem>>, vector<16xf32>,
      %broadcast_in_dim3A_39 = arith.constant 0.000000e+00 : f32
      %broadcast_in_dim3A_40 = vector.broadcast %broadcast_in_dim3A_39 : f32 to vector<16xf32>
      %swap3A_41 = arith.index_cast %scan3A_25 : i32 to index
      %swap3A_42 = arith.constant 48 : index
      %swap3A_43 = tpu.vector_load %arg9[%swap3A_41, %swap3A_42] {strides = array<i32>} : memref<40x128xf32, #tpu.memory_space<vmem>>, vector<16xf32>,
      tpu.vector_store %arg9[%swap3A_41, %swap3A_42], %broadcast_in_dim3A_40 {strides = array<i32>} : memref<40x128xf32, #tpu.memory_space<vmem>>, vector<16xf32>,
      %broadcast_in_dim3A_44 = arith.constant 0.000000e+00 : f32
      %broadcast_in_dim3A_45 = vector.broadcast %broadcast_in_dim3A_44 : f32 to vector<16xf32>
      %swap3A_46 = arith.index_cast %scan3A_25 : i32 to index
      %swap3A_47 = arith.constant 64 : index
      %swap3A_48 = tpu.vector_load %arg9[%swap3A_46, %swap3A_47] {strides = array<i32>} : memref<40x128xf32, #tpu.memory_space<vmem>>, vector<16xf32>,
      tpu.vector_store %arg9[%swap3A_46, %swap3A_47], %broadcast_in_dim3A_45 {strides = array<i32>} : memref<40x128xf32, #tpu.memory_space<vmem>>, vector<16xf32>,
      %broadcast_in_dim3A_49 = arith.constant 0.000000e+00 : f32
      %broadcast_in_dim3A_50 = vector.broadcast %broadcast_in_dim3A_49 : f32 to vector<16xf32>
      %swap3A_51 = arith.index_cast %scan3A_25 : i32 to index
      %swap3A_52 = arith.constant 80 : index
      %swap3A_53 = tpu.vector_load %arg9[%swap3A_51, %swap3A_52] {strides = array<i32>} : memref<40x128xf32, #tpu.memory_space<vmem>>, vector<16xf32>,
      tpu.vector_store %arg9[%swap3A_51, %swap3A_52], %broadcast_in_dim3A_50 {strides = array<i32>} : memref<40x128xf32, #tpu.memory_space<vmem>>, vector<16xf32>,
      %broadcast_in_dim3A_54 = arith.constant 0.000000e+00 : f32
      %broadcast_in_dim3A_55 = vector.broadcast %broadcast_in_dim3A_54 : f32 to vector<16xf32>
      %swap3A_56 = arith.index_cast %scan3A_25 : i32 to index
      %swap3A_57 = arith.constant 96 : index
      %swap3A_58 = tpu.vector_load %arg9[%swap3A_56, %swap3A_57] {strides = array<i32>} : memref<40x128xf32, #tpu.memory_space<vmem>>, vector<16xf32>,
      tpu.vector_store %arg9[%swap3A_56, %swap3A_57], %broadcast_in_dim3A_55 {strides = array<i32>} : memref<40x128xf32, #tpu.memory_space<vmem>>, vector<16xf32>,
      %broadcast_in_dim3A_59 = arith.constant 0.000000e+00 : f32
      %broadcast_in_dim3A_60 = vector.broadcast %broadcast_in_dim3A_59 : f32 to vector<16xf32>
      %swap3A_61 = arith.index_cast %scan3A_25 : i32 to index
      %swap3A_62 = arith.constant 112 : index
      %swap3A_63 = tpu.vector_load %arg9[%swap3A_61, %swap3A_62] {strides = array<i32>} : memref<40x128xf32, #tpu.memory_space<vmem>>, vector<16xf32>,
      tpu.vector_store %arg9[%swap3A_61, %swap3A_62], %broadcast_in_dim3A_60 {strides = array<i32>} : memref<40x128xf32, #tpu.memory_space<vmem>>, vector<16xf32>,
    }
    %scan3A_5 = arith.constant 40 : i32
    %scan3A_6 = arith.constant 0 : i32
    %scan3A_7 = arith.constant 0 : i32
    %scan3A_8 = arith.constant 16 : i32
    %scan3A_9 = arith.addi %scan3A_7, %scan3A_8 : i32
    %scan3A_10 = arith.constant 1 : i32
    scf.for %scan3A_25 = %scan3A_7 to %scan3A_9 step %scan3A_10  : i32 {
      %mul3A_26 = arith.constant 16 : i32
      %mul3A_27 = arith.muli %scan3A_25, %mul3A_26 : i32
      %add3A_28 = arith.addi %arg1, %mul3A_27 : i32
      %lt3A = arith.constant 250 : i32
      %lt3A_29 = arith.cmpi slt, %add3A_28, %lt3A : i32
      %convert_element_type3A = arith.extui %lt3A_29 : i1 to i32
      %cond3A = arith.constant 0 : i32
      %cond3A_30 = arith.cmpi ne, %convert_element_type3A, %cond3A : i32
      scf.if %cond3A_30 {
        %mul3A_31 = arith.constant 40 : i32
        %mul3A_32 = arith.muli %add3A_28, %mul3A_31 : i32
        "tpu.region"() ({
          %run_scoped3A = tpu.sem_alloc : memref<!tpu.dma_semaphore, #tpu.memory_space<semaphore_mem>>
          %dma_start3A = arith.constant 0 : i32
          %dma_start3A_33 = tpu.memref_slice %arg15[%mul3A_32, %dma_start3A] : memref<10000x128xf32, #tpu.memory_space<vmem_shared>> -> memref<40x128xf32, #tpu.memory_space<vmem_shared>>
          %dma_start3A_34 = arith.constant 0 : i32
          %dma_start3A_35 = tpu.memref_slice %arg15[%mul3A_32, %dma_start3A_34] : memref<10000x128xf32, #tpu.memory_space<vmem_shared>> -> memref<40x128xf32, #tpu.memory_space<vmem_shared>>
          tpu.enqueue_dma source(%arg9 : memref<40x128xf32, #tpu.memory_space<vmem>>) target(%dma_start3A_35 : memref<40x128xf32, #tpu.memory_space<vmem_shared>>) target_semaphore(%run_scoped3A : memref<!tpu.dma_semaphore, #tpu.memory_space<semaphore_mem>>)
          %dma_wait3A = arith.constant 0 : i32
          %dma_wait3A_36 = tpu.memref_slice %arg15[%mul3A_32, %dma_wait3A] : memref<10000x128xf32, #tpu.memory_space<vmem_shared>> -> memref<40x128xf32, #tpu.memory_space<vmem_shared>>
          %dma_wait3A_37 = arith.constant 0 : i32
          %dma_wait3A_38 = tpu.memref_slice %arg15[%mul3A_32, %dma_wait3A_37] : memref<10000x128xf32, #tpu.memory_space<vmem_shared>> -> memref<40x128xf32, #tpu.memory_space<vmem_shared>>
          tpu.wait_dma2 semaphore(%run_scoped3A : memref<!tpu.dma_semaphore, #tpu.memory_space<semaphore_mem>>) src(%arg9 : memref<40x128xf32, #tpu.memory_space<vmem>>) dst(%dma_wait3A_38 : memref<40x128xf32, #tpu.memory_space<vmem_shared>>)
          tpu.yield
        }) : () -> ()
      } else {
      }
    }
    %scan3A_11 = arith.constant 16 : i32
    %barrier3A = arith.constant 0 : index
    tpu.barrier barrier_id(%barrier3A)
    %scan3A_12 = arith.constant 0 : i32
    %scan3A_13 = arith.constant 0 : i32
    %scan3A_14 = arith.constant 5 : i32
    %scan3A_15 = arith.addi %scan3A_13, %scan3A_14 : i32
    %scan3A_16 = arith.constant 1 : i32
    scf.for %scan3A_25 = %scan3A_13 to %scan3A_15 step %scan3A_16  : i32 {
      "tpu.region"() ({
        %run_scoped3A = tpu.sem_alloc : memref<!tpu.dma_semaphore, #tpu.memory_space<semaphore_mem>>
        %dma_start3A_91 = arith.constant 0 : i32
        %dma_start3A_92 = arith.constant 0 : i32
        %dma_start3A_93 = tpu.memref_slice %arg4[%add3A, %scan3A_25, %dma_start3A_91, %dma_start3A_92] : memref<32x5x50x40xi32, #tpu.memory_space<hbm>> -> memref<1x1x50x40xi32, #tpu.memory_space<hbm>>
        %dma_start3A_94 = tpu.memref_squeeze %dma_start3A_93 : memref<1x1x50x40xi32, #tpu.memory_space<hbm>> -> memref<50x40xi32, #tpu.memory_space<hbm>>
        %dma_start3A_95 = arith.constant 0 : i32
        %dma_start3A_96 = arith.constant 0 : i32
        %dma_start3A_97 = tpu.memref_slice %arg4[%add3A, %scan3A_25, %dma_start3A_95, %dma_start3A_96] : memref<32x5x50x40xi32, #tpu.memory_space<hbm>> -> memref<1x1x50x40xi32, #tpu.memory_space<hbm>>
        %dma_start3A_98 = tpu.memref_squeeze %dma_start3A_97 : memref<1x1x50x40xi32, #tpu.memory_space<hbm>> -> memref<50x40xi32, #tpu.memory_space<hbm>>
        tpu.enqueue_dma source(%dma_start3A_98 : memref<50x40xi32, #tpu.memory_space<hbm>>) target(%arg7 : memref<50x40xi32, #tpu.memory_space<vmem>>) target_semaphore(%run_scoped3A : memref<!tpu.dma_semaphore, #tpu.memory_space<semaphore_mem>>)
        %dma_wait3A_99 = arith.constant 0 : i32
        %dma_wait3A_100 = arith.constant 0 : i32
        %dma_wait3A_101 = tpu.memref_slice %arg4[%add3A, %scan3A_25, %dma_wait3A_99, %dma_wait3A_100] : memref<32x5x50x40xi32, #tpu.memory_space<hbm>> -> memref<1x1x50x40xi32, #tpu.memory_space<hbm>>
        %dma_wait3A_102 = tpu.memref_squeeze %dma_wait3A_101 : memref<1x1x50x40xi32, #tpu.memory_space<hbm>> -> memref<50x40xi32, #tpu.memory_space<hbm>>
        %dma_wait3A_103 = arith.constant 0 : i32
        %dma_wait3A_104 = arith.constant 0 : i32
        %dma_wait3A_105 = tpu.memref_slice %arg4[%add3A, %scan3A_25, %dma_wait3A_103, %dma_wait3A_104] : memref<32x5x50x40xi32, #tpu.memory_space<hbm>> -> memref<1x1x50x40xi32, #tpu.memory_space<hbm>>
        %dma_wait3A_106 = tpu.memref_squeeze %dma_wait3A_105 : memref<1x1x50x40xi32, #tpu.memory_space<hbm>> -> memref<50x40xi32, #tpu.memory_space<hbm>>
        tpu.wait_dma2 semaphore(%run_scoped3A : memref<!tpu.dma_semaphore, #tpu.memory_space<semaphore_mem>>) src(%dma_wait3A_106 : memref<50x40xi32, #tpu.memory_space<hbm>>) dst(%arg7 : memref<50x40xi32, #tpu.memory_space<vmem>>)
        tpu.yield
      }) : () -> ()
      "tpu.region"() ({
        %run_scoped3A = tpu.sem_alloc : memref<!tpu.dma_semaphore, #tpu.memory_space<semaphore_mem>>
        %dma_start3A_91 = arith.constant 0 : i32
        %dma_start3A_92 = arith.constant 0 : i32
        %dma_start3A_93 = tpu.memref_slice %arg5[%add3A, %scan3A_25, %dma_start3A_91, %dma_start3A_92] : memref<32x5x50x40xi32, #tpu.memory_space<hbm>> -> memref<1x1x50x40xi32, #tpu.memory_space<hbm>>
        %dma_start3A_94 = tpu.memref_squeeze %dma_start3A_93 : memref<1x1x50x40xi32, #tpu.memory_space<hbm>> -> memref<50x40xi32, #tpu.memory_space<hbm>>
        %dma_start3A_95 = arith.constant 0 : i32
        %dma_start3A_96 = arith.constant 0 : i32
        %dma_start3A_97 = tpu.memref_slice %arg5[%add3A, %scan3A_25, %dma_start3A_95, %dma_start3A_96] : memref<32x5x50x40xi32, #tpu.memory_space<hbm>> -> memref<1x1x50x40xi32, #tpu.memory_space<hbm>>
        %dma_start3A_98 = tpu.memref_squeeze %dma_start3A_97 : memref<1x1x50x40xi32, #tpu.memory_space<hbm>> -> memref<50x40xi32, #tpu.memory_space<hbm>>
        tpu.enqueue_dma source(%dma_start3A_98 : memref<50x40xi32, #tpu.memory_space<hbm>>) target(%arg8 : memref<50x40xi32, #tpu.memory_space<vmem>>) target_semaphore(%run_scoped3A : memref<!tpu.dma_semaphore, #tpu.memory_space<semaphore_mem>>)
        %dma_wait3A_99 = arith.constant 0 : i32
        %dma_wait3A_100 = arith.constant 0 : i32
        %dma_wait3A_101 = tpu.memref_slice %arg5[%add3A, %scan3A_25, %dma_wait3A_99, %dma_wait3A_100] : memref<32x5x50x40xi32, #tpu.memory_space<hbm>> -> memref<1x1x50x40xi32, #tpu.memory_space<hbm>>
        %dma_wait3A_102 = tpu.memref_squeeze %dma_wait3A_101 : memref<1x1x50x40xi32, #tpu.memory_space<hbm>> -> memref<50x40xi32, #tpu.memory_space<hbm>>
        %dma_wait3A_103 = arith.constant 0 : i32
        %dma_wait3A_104 = arith.constant 0 : i32
        %dma_wait3A_105 = tpu.memref_slice %arg5[%add3A, %scan3A_25, %dma_wait3A_103, %dma_wait3A_104] : memref<32x5x50x40xi32, #tpu.memory_space<hbm>> -> memref<1x1x50x40xi32, #tpu.memory_space<hbm>>
        %dma_wait3A_106 = tpu.memref_squeeze %dma_wait3A_105 : memref<1x1x50x40xi32, #tpu.memory_space<hbm>> -> memref<50x40xi32, #tpu.memory_space<hbm>>
        tpu.wait_dma2 semaphore(%run_scoped3A : memref<!tpu.dma_semaphore, #tpu.memory_space<semaphore_mem>>) src(%dma_wait3A_106 : memref<50x40xi32, #tpu.memory_space<hbm>>) dst(%arg8 : memref<50x40xi32, #tpu.memory_space<vmem>>)
        tpu.yield
      }) : () -> ()
      %dma_start3A = arith.constant 0 : i32
      %dma_start3A_26 = arith.constant 0 : i32
      %dma_start3A_27 = tpu.memref_slice %arg7[%dma_start3A, %dma_start3A_26] : memref<50x40xi32, #tpu.memory_space<vmem>> -> memref<1x40xi32, #tpu.memory_space<vmem>>
      %dma_start3A_28 = tpu.memref_squeeze %dma_start3A_27 : memref<1x40xi32, #tpu.memory_space<vmem>> -> memref<40xi32, #tpu.memory_space<vmem>>
      %dma_start3A_29 = arith.constant 0 : i32
      %dma_start3A_30 = arith.constant 0 : i32
      %dma_start3A_31 = tpu.memref_slice %arg2[%dma_start3A_29, %dma_start3A_30] : memref<10000x128xf32, #tpu.memory_space<hbm>> -> memref<10000x128xf32, #tpu.memory_space<hbm>>
      tpu.enqueue_indirect_dma source(%dma_start3A_31 : memref<10000x128xf32, #tpu.memory_space<hbm>>) target(%arg9 : memref<40x128xf32, #tpu.memory_space<vmem>>) offsets(%dma_start3A_28 : memref<40xi32, #tpu.memory_space<vmem>>) semaphore(%arg16 : memref<!tpu.dma_semaphore, #tpu.memory_space<semaphore_mem>>)
      %mul3A_32 = arith.constant 5 : i32
      %mul3A_33 = arith.muli %add3A, %mul3A_32 : i32
      %add3A_34 = arith.addi %mul3A_33, %scan3A_25 : i32
      %mul3A_35 = arith.constant 50 : i32
      %mul3A_36 = arith.muli %add3A_34, %mul3A_35 : i32
      %add3A_37 = arith.constant 0 : i32
      %add3A_38 = arith.addi %mul3A_36, %add3A_37 : i32
      %mul3A_39 = arith.constant 40 : i32
      %mul3A_40 = arith.muli %add3A_38, %mul3A_39 : i32
      %dma_start3A_41 = arith.constant 0 : i32
      %dma_start3A_42 = tpu.memref_slice %arg3[%mul3A_40, %dma_start3A_41] : memref<320000x64xf32, #tpu.memory_space<hbm>> -> memref<40x64xf32, #tpu.memory_space<hbm>>
      %dma_start3A_43 = arith.constant 0 : i32
      %dma_start3A_44 = tpu.memref_slice %arg3[%mul3A_40, %dma_start3A_43] : memref<320000x64xf32, #tpu.memory_space<hbm>> -> memref<40x64xf32, #tpu.memory_space<hbm>>
      tpu.enqueue_dma source(%dma_start3A_44 : memref<40x64xf32, #tpu.memory_space<hbm>>) target(%arg12 : memref<40x64xf32, #tpu.memory_space<vmem>>) target_semaphore(%arg19 : memref<!tpu.dma_semaphore, #tpu.memory_space<semaphore_mem>>)
      %dma_start3A_45 = arith.constant 1 : i32
      %dma_start3A_46 = arith.constant 0 : i32
      %dma_start3A_47 = tpu.memref_slice %arg7[%dma_start3A_45, %dma_start3A_46] : memref<50x40xi32, #tpu.memory_space<vmem>> -> memref<1x40xi32, #tpu.memory_space<vmem>>
      %dma_start3A_48 = tpu.memref_squeeze %dma_start3A_47 : memref<1x40xi32, #tpu.memory_space<vmem>> -> memref<40xi32, #tpu.memory_space<vmem>>
      %dma_start3A_49 = arith.constant 0 : i32
      %dma_start3A_50 = arith.constant 0 : i32
      %dma_start3A_51 = tpu.memref_slice %arg2[%dma_start3A_49, %dma_start3A_50] : memref<10000x128xf32, #tpu.memory_space<hbm>> -> memref<10000x128xf32, #tpu.memory_space<hbm>>
      tpu.enqueue_indirect_dma source(%dma_start3A_51 : memref<10000x128xf32, #tpu.memory_space<hbm>>) target(%arg10 : memref<40x128xf32, #tpu.memory_space<vmem>>) offsets(%dma_start3A_48 : memref<40xi32, #tpu.memory_space<vmem>>) semaphore(%arg17 : memref<!tpu.dma_semaphore, #tpu.memory_space<semaphore_mem>>)
      %mul3A_52 = arith.constant 5 : i32
      %mul3A_53 = arith.muli %add3A, %mul3A_52 : i32
      %add3A_54 = arith.addi %mul3A_53, %scan3A_25 : i32
      %mul3A_55 = arith.constant 50 : i32
      %mul3A_56 = arith.muli %add3A_54, %mul3A_55 : i32
      %add3A_57 = arith.constant 1 : i32
      %add3A_58 = arith.addi %mul3A_56, %add3A_57 : i32
      %mul3A_59 = arith.constant 40 : i32
      %mul3A_60 = arith.muli %add3A_58, %mul3A_59 : i32
      %dma_start3A_61 = arith.constant 0 : i32
      %dma_start3A_62 = tpu.memref_slice %arg3[%mul3A_60, %dma_start3A_61] : memref<320000x64xf32, #tpu.memory_space<hbm>> -> memref<40x64xf32, #tpu.memory_space<hbm>>
      %dma_start3A_63 = arith.constant 0 : i32
      %dma_start3A_64 = tpu.memref_slice %arg3[%mul3A_60, %dma_start3A_63] : memref<320000x64xf32, #tpu.memory_space<hbm>> -> memref<40x64xf32, #tpu.memory_space<hbm>>
      tpu.enqueue_dma source(%dma_start3A_64 : memref<40x64xf32, #tpu.memory_space<hbm>>) target(%arg13 : memref<40x64xf32, #tpu.memory_space<vmem>>) target_semaphore(%arg20 : memref<!tpu.dma_semaphore, #tpu.memory_space<semaphore_mem>>)
      %scan3A_65 = arith.constant 0 : i32
      %scan3A_66 = arith.constant 0 : i32
      %scan3A_67 = arith.constant 50 : i32
      %scan3A_68 = arith.addi %scan3A_66, %scan3A_67 : i32
      %scan3A_69 = arith.constant 1 : i32
      scf.for %scan3A_91 = %scan3A_66 to %scan3A_68 step %scan3A_69  : i32 {
        %jit3A = arith.constant 3 : i32
        %eq3A = arith.constant 0 : i32
        %eq3A_92 = arith.cmpi eq, %jit3A, %eq3A : i32
        %jit3A_93 = arith.constant 1 : i32
        %select_n3A = arith.select %eq3A_92, %jit3A_93, %jit3A : i32
        %rem3A = arith.remsi %scan3A_91, %select_n3A : i32
        %ne3A = arith.constant 0 : i32
        %ne3A_94 = arith.cmpi ne, %rem3A, %ne3A : i32
        %lt3A = arith.constant 0 : i32
        %lt3A_95 = arith.cmpi slt, %rem3A, %lt3A : i32
        %lt3A_96 = arith.constant 0 : i32
        %lt3A_97 = arith.cmpi slt, %select_n3A, %lt3A_96 : i32
        %ne3A_98 = arith.xori %lt3A_95, %lt3A_97 : i1
        %and3A = arith.andi %ne3A_98, %ne3A_94 : i1
        %add3A_99 = arith.addi %rem3A, %select_n3A : i32
        %select_n3A_100 = arith.select %and3A, %add3A_99, %rem3A : i32
        %eq3A_101 = arith.constant 0 : i32
        %eq3A_102 = arith.cmpi eq, %select_n3A_100, %eq3A_101 : i32
        %convert_element_type3A = arith.extui %eq3A_102 : i1 to i32
        %cond3A = arith.constant 0 : i32
        %cond3A_103 = arith.cmpi ne, %convert_element_type3A, %cond3A : i32
        scf.if %cond3A_103 {
          %dma_wait3A_146 = arith.constant 0 : i32
          %dma_wait3A_147 = tpu.memref_slice %arg7[%scan3A_91, %dma_wait3A_146] : memref<50x40xi32, #tpu.memory_space<vmem>> -> memref<1x40xi32, #tpu.memory_space<vmem>>
          %dma_wait3A_148 = tpu.memref_squeeze %dma_wait3A_147 : memref<1x40xi32, #tpu.memory_space<vmem>> -> memref<40xi32, #tpu.memory_space<vmem>>
          %dma_wait3A_149 = arith.constant 0 : i32
          %dma_wait3A_150 = arith.constant 0 : i32
          %dma_wait3A_151 = tpu.memref_slice %arg2[%dma_wait3A_149, %dma_wait3A_150] : memref<10000x128xf32, #tpu.memory_space<hbm>> -> memref<10000x128xf32, #tpu.memory_space<hbm>>
          tpu.wait_indirect_dma semaphore(%arg16 : memref<!tpu.dma_semaphore, #tpu.memory_space<semaphore_mem>>) src(%dma_wait3A_151 : memref<10000x128xf32, #tpu.memory_space<hbm>>) dst(%arg9 : memref<40x128xf32, #tpu.memory_space<vmem>>)
          %mul3A_152 = arith.constant 5 : i32
          %mul3A_153 = arith.muli %add3A, %mul3A_152 : i32
          %add3A_154 = arith.addi %mul3A_153, %scan3A_25 : i32
          %mul3A_155 = arith.constant 50 : i32
          %mul3A_156 = arith.muli %add3A_154, %mul3A_155 : i32
          %add3A_157 = arith.addi %mul3A_156, %scan3A_91 : i32
          %mul3A_158 = arith.constant 40 : i32
          %mul3A_159 = arith.muli %add3A_157, %mul3A_158 : i32
          %dma_wait3A_160 = arith.constant 0 : i32
          %dma_wait3A_161 = tpu.memref_slice %arg3[%mul3A_159, %dma_wait3A_160] : memref<320000x64xf32, #tpu.memory_space<hbm>> -> memref<40x64xf32, #tpu.memory_space<hbm>>
          %dma_wait3A_162 = arith.constant 0 : i32
          %dma_wait3A_163 = tpu.memref_slice %arg3[%mul3A_159, %dma_wait3A_162] : memref<320000x64xf32, #tpu.memory_space<hbm>> -> memref<40x64xf32, #tpu.memory_space<hbm>>
          tpu.wait_dma2 semaphore(%arg19 : memref<!tpu.dma_semaphore, #tpu.memory_space<semaphore_mem>>) src(%dma_wait3A_163 : memref<40x64xf32, #tpu.memory_space<hbm>>) dst(%arg12 : memref<40x64xf32, #tpu.memory_space<vmem>>)
          %scan3A_164 = arith.constant 0 : i32
          %scan3A_165 = arith.constant 0 : i32
          %scan3A_166 = arith.constant 40 : i32
          %scan3A_167 = arith.addi %scan3A_165, %scan3A_166 : i32
          %scan3A_168 = arith.constant 1 : i32
          scf.for %scan3A_183 = %scan3A_165 to %scan3A_167 step %scan3A_168  : i32 {
            %get3A = arith.index_cast %scan3A_183 : i32 to index
            %get3A_184 = arith.constant 0 : index
            %get3A_185 = tpu.vector_load %arg12[%get3A, %get3A_184] {strides = array<i32>} : memref<40x64xf32, #tpu.memory_space<vmem>>, vector<16xf32>,
            %bitcast3A = vector.bitcast %get3A_185 : vector<16xf32> to vector<32xbf16>
            %unpack3A = tpu.unpack_subelements %bitcast3A, 0 {pack_format = #tpu.pack_format<interleaved>} : vector<32xbf16> -> vector<16xf32>
            %unpack3A_186 = tpu.unpack_subelements %bitcast3A, 1 {pack_format = #tpu.pack_format<interleaved>} : vector<32xbf16> -> vector<16xf32>
            %get3A_187 = arith.index_cast %scan3A_183 : i32 to index
            %get3A_188 = arith.constant 0 : index
            %get3A_189 = tpu.vector_load %arg9[%get3A_187, %get3A_188] {strides = array<i32>} : memref<40x128xf32, #tpu.memory_space<vmem>>, vector<16xf32>,
            %mul3A_190 = arith.mulf %unpack3A, %get3A_189 : vector<16xf32>
            %swap3A = arith.index_cast %scan3A_183 : i32 to index
            %swap3A_191 = arith.constant 0 : index
            %swap3A_192 = tpu.vector_load %arg9[%swap3A, %swap3A_191] {strides = array<i32>} : memref<40x128xf32, #tpu.memory_space<vmem>>, vector<16xf32>,
            tpu.vector_store %arg9[%swap3A, %swap3A_191], %mul3A_190 {strides = array<i32>} : memref<40x128xf32, #tpu.memory_space<vmem>>, vector<16xf32>,
            %get3A_193 = arith.index_cast %scan3A_183 : i32 to index
            %get3A_194 = arith.constant 64 : index
            %get3A_195 = tpu.vector_load %arg9[%get3A_193, %get3A_194] {strides = array<i32>} : memref<40x128xf32, #tpu.memory_space<vmem>>, vector<16xf32>,
            %mul3A_196 = arith.mulf %unpack3A_186, %get3A_195 : vector<16xf32>
            %swap3A_197 = arith.index_cast %scan3A_183 : i32 to index
            %swap3A_198 = arith.constant 64 : index
            %swap3A_199 = tpu.vector_load %arg9[%swap3A_197, %swap3A_198] {strides = array<i32>} : memref<40x128xf32, #tpu.memory_space<vmem>>, vector<16xf32>,
            tpu.vector_store %arg9[%swap3A_197, %swap3A_198], %mul3A_196 {strides = array<i32>} : memref<40x128xf32, #tpu.memory_space<vmem>>, vector<16xf32>,
            %get3A_200 = arith.index_cast %scan3A_183 : i32 to index
            %get3A_201 = arith.constant 16 : index
            %get3A_202 = tpu.vector_load %arg12[%get3A_200, %get3A_201] {strides = array<i32>} : memref<40x64xf32, #tpu.memory_space<vmem>>, vector<16xf32>,
            %bitcast3A_203 = vector.bitcast %get3A_202 : vector<16xf32> to vector<32xbf16>
            %unpack3A_204 = tpu.unpack_subelements %bitcast3A_203, 0 {pack_format = #tpu.pack_format<interleaved>} : vector<32xbf16> -> vector<16xf32>
            %unpack3A_205 = tpu.unpack_subelements %bitcast3A_203, 1 {pack_format = #tpu.pack_format<interleaved>} : vector<32xbf16> -> vector<16xf32>
            %get3A_206 = arith.index_cast %scan3A_183 : i32 to index
            %get3A_207 = arith.constant 16 : index
            %get3A_208 = tpu.vector_load %arg9[%get3A_206, %get3A_207] {strides = array<i32>} : memref<40x128xf32, #tpu.memory_space<vmem>>, vector<16xf32>,
            %mul3A_209 = arith.mulf %unpack3A_204, %get3A_208 : vector<16xf32>
            %swap3A_210 = arith.index_cast %scan3A_183 : i32 to index
            %swap3A_211 = arith.constant 16 : index
            %swap3A_212 = tpu.vector_load %arg9[%swap3A_210, %swap3A_211] {strides = array<i32>} : memref<40x128xf32, #tpu.memory_space<vmem>>, vector<16xf32>,
            tpu.vector_store %arg9[%swap3A_210, %swap3A_211], %mul3A_209 {strides = array<i32>} : memref<40x128xf32, #tpu.memory_space<vmem>>, vector<16xf32>,
            %get3A_213 = arith.index_cast %scan3A_183 : i32 to index
            %get3A_214 = arith.constant 80 : index
            %get3A_215 = tpu.vector_load %arg9[%get3A_213, %get3A_214] {strides = array<i32>} : memref<40x128xf32, #tpu.memory_space<vmem>>, vector<16xf32>,
            %mul3A_216 = arith.mulf %unpack3A_205, %get3A_215 : vector<16xf32>
            %swap3A_217 = arith.index_cast %scan3A_183 : i32 to index
            %swap3A_218 = arith.constant 80 : index
            %swap3A_219 = tpu.vector_load %arg9[%swap3A_217, %swap3A_218] {strides = array<i32>} : memref<40x128xf32, #tpu.memory_space<vmem>>, vector<16xf32>,
            tpu.vector_store %arg9[%swap3A_217, %swap3A_218], %mul3A_216 {strides = array<i32>} : memref<40x128xf32, #tpu.memory_space<vmem>>, vector<16xf32>,
            %get3A_220 = arith.index_cast %scan3A_183 : i32 to index
            %get3A_221 = arith.constant 32 : index
            %get3A_222 = tpu.vector_load %arg12[%get3A_220, %get3A_221] {strides = array<i32>} : memref<40x64xf32, #tpu.memory_space<vmem>>, vector<16xf32>,
            %bitcast3A_223 = vector.bitcast %get3A_222 : vector<16xf32> to vector<32xbf16>
            %unpack3A_224 = tpu.unpack_subelements %bitcast3A_223, 0 {pack_format = #tpu.pack_format<interleaved>} : vector<32xbf16> -> vector<16xf32>
            %unpack3A_225 = tpu.unpack_subelements %bitcast3A_223, 1 {pack_format = #tpu.pack_format<interleaved>} : vector<32xbf16> -> vector<16xf32>
            %get3A_226 = arith.index_cast %scan3A_183 : i32 to index
            %get3A_227 = arith.constant 32 : index
            %get3A_228 = tpu.vector_load %arg9[%get3A_226, %get3A_227] {strides = array<i32>} : memref<40x128xf32, #tpu.memory_space<vmem>>, vector<16xf32>,
            %mul3A_229 = arith.mulf %unpack3A_224, %get3A_228 : vector<16xf32>
            %swap3A_230 = arith.index_cast %scan3A_183 : i32 to index
            %swap3A_231 = arith.constant 32 : index
            %swap3A_232 = tpu.vector_load %arg9[%swap3A_230, %swap3A_231] {strides = array<i32>} : memref<40x128xf32, #tpu.memory_space<vmem>>, vector<16xf32>,
            tpu.vector_store %arg9[%swap3A_230, %swap3A_231], %mul3A_229 {strides = array<i32>} : memref<40x128xf32, #tpu.memory_space<vmem>>, vector<16xf32>,
            %get3A_233 = arith.index_cast %scan3A_183 : i32 to index
            %get3A_234 = arith.constant 96 : index
            %get3A_235 = tpu.vector_load %arg9[%get3A_233, %get3A_234] {strides = array<i32>} : memref<40x128xf32, #tpu.memory_space<vmem>>, vector<16xf32>,
            %mul3A_236 = arith.mulf %unpack3A_225, %get3A_235 : vector<16xf32>
            %swap3A_237 = arith.index_cast %scan3A_183 : i32 to index
            %swap3A_238 = arith.constant 96 : index
            %swap3A_239 = tpu.vector_load %arg9[%swap3A_237, %swap3A_238] {strides = array<i32>} : memref<40x128xf32, #tpu.memory_space<vmem>>, vector<16xf32>,
            tpu.vector_store %arg9[%swap3A_237, %swap3A_238], %mul3A_236 {strides = array<i32>} : memref<40x128xf32, #tpu.memory_space<vmem>>, vector<16xf32>,
            %get3A_240 = arith.index_cast %scan3A_183 : i32 to index
            %get3A_241 = arith.constant 48 : index
            %get3A_242 = tpu.vector_load %arg12[%get3A_240, %get3A_241] {strides = array<i32>} : memref<40x64xf32, #tpu.memory_space<vmem>>, vector<16xf32>,
            %bitcast3A_243 = vector.bitcast %get3A_242 : vector<16xf32> to vector<32xbf16>
            %unpack3A_244 = tpu.unpack_subelements %bitcast3A_243, 0 {pack_format = #tpu.pack_format<interleaved>} : vector<32xbf16> -> vector<16xf32>
            %unpack3A_245 = tpu.unpack_subelements %bitcast3A_243, 1 {pack_format = #tpu.pack_format<interleaved>} : vector<32xbf16> -> vector<16xf32>
            %get3A_246 = arith.index_cast %scan3A_183 : i32 to index
            %get3A_247 = arith.constant 48 : index
            %get3A_248 = tpu.vector_load %arg9[%get3A_246, %get3A_247] {strides = array<i32>} : memref<40x128xf32, #tpu.memory_space<vmem>>, vector<16xf32>,
            %mul3A_249 = arith.mulf %unpack3A_244, %get3A_248 : vector<16xf32>
            %swap3A_250 = arith.index_cast %scan3A_183 : i32 to index
            %swap3A_251 = arith.constant 48 : index
            %swap3A_252 = tpu.vector_load %arg9[%swap3A_250, %swap3A_251] {strides = array<i32>} : memref<40x128xf32, #tpu.memory_space<vmem>>, vector<16xf32>,
            tpu.vector_store %arg9[%swap3A_250, %swap3A_251], %mul3A_249 {strides = array<i32>} : memref<40x128xf32, #tpu.memory_space<vmem>>, vector<16xf32>,
            %get3A_253 = arith.index_cast %scan3A_183 : i32 to index
            %get3A_254 = arith.constant 112 : index
            %get3A_255 = tpu.vector_load %arg9[%get3A_253, %get3A_254] {strides = array<i32>} : memref<40x128xf32, #tpu.memory_space<vmem>>, vector<16xf32>,
            %mul3A_256 = arith.mulf %unpack3A_245, %get3A_255 : vector<16xf32>
            %swap3A_257 = arith.index_cast %scan3A_183 : i32 to index
            %swap3A_258 = arith.constant 112 : index
            %swap3A_259 = tpu.vector_load %arg9[%swap3A_257, %swap3A_258] {strides = array<i32>} : memref<40x128xf32, #tpu.memory_space<vmem>>, vector<16xf32>,
            tpu.vector_store %arg9[%swap3A_257, %swap3A_258], %mul3A_256 {strides = array<i32>} : memref<40x128xf32, #tpu.memory_space<vmem>>, vector<16xf32>,
          }
          %scan3A_169 = arith.constant 40 : i32
          %dma_start3A_170 = arith.constant 0 : i32
          %dma_start3A_171 = tpu.memref_slice %arg8[%scan3A_91, %dma_start3A_170] : memref<50x40xi32, #tpu.memory_space<vmem>> -> memref<1x40xi32, #tpu.memory_space<vmem>>
          %dma_start3A_172 = tpu.memref_squeeze %dma_start3A_171 : memref<1x40xi32, #tpu.memory_space<vmem>> -> memref<40xi32, #tpu.memory_space<vmem>>
          %dma_start3A_173 = arith.constant 0 : i32
          %dma_start3A_174 = arith.constant 0 : i32
          %dma_start3A_175 = tpu.memref_slice %arg15[%dma_start3A_173, %dma_start3A_174] : memref<10000x128xf32, #tpu.memory_space<vmem_shared>> -> memref<10000x128xf32, #tpu.memory_space<vmem_shared>>
          tpu.enqueue_indirect_dma source(%arg9 : memref<40x128xf32, #tpu.memory_space<vmem>>) target(%dma_start3A_175 : memref<10000x128xf32, #tpu.memory_space<vmem_shared>>) offsets(%dma_start3A_172 : memref<40xi32, #tpu.memory_space<vmem>>) semaphore(%arg22 : memref<!tpu.dma_semaphore, #tpu.memory_space<semaphore_mem>>) {add = true}
          %add3A_176 = arith.constant 2 : i32
          %add3A_177 = arith.addi %scan3A_91, %add3A_176 : i32
          %lt3A_178 = arith.constant 50 : i32
          %lt3A_179 = arith.cmpi slt, %add3A_177, %lt3A_178 : i32
          %convert_element_type3A_180 = arith.extui %lt3A_179 : i1 to i32
          %cond3A_181 = arith.constant 0 : i32
          %cond3A_182 = arith.cmpi ne, %convert_element_type3A_180, %cond3A_181 : i32
          scf.if %cond3A_182 {
            %ge3A = arith.constant 1 : i32
            %ge3A_183 = arith.cmpi sge, %scan3A_91, %ge3A : i32
            %convert_element_type3A_184 = arith.extui %ge3A_183 : i1 to i32
            %cond3A_185 = arith.constant 0 : i32
            %cond3A_186 = arith.cmpi ne, %convert_element_type3A_184, %cond3A_185 : i32
            scf.if %cond3A_186 {
              %dma_wait3A_209 = arith.constant 0 : i32
              %dma_wait3A_210 = arith.constant 0 : i32
              %dma_wait3A_211 = tpu.memref_slice %arg8[%dma_wait3A_209, %dma_wait3A_210] : memref<50x40xi32, #tpu.memory_space<vmem>> -> memref<1x40xi32, #tpu.memory_space<vmem>>
              %dma_wait3A_212 = tpu.memref_squeeze %dma_wait3A_211 : memref<1x40xi32, #tpu.memory_space<vmem>> -> memref<40xi32, #tpu.memory_space<vmem>>
              %dma_wait3A_213 = arith.constant 0 : i32
              %dma_wait3A_214 = arith.constant 0 : i32
              %dma_wait3A_215 = tpu.memref_slice %arg15[%dma_wait3A_213, %dma_wait3A_214] : memref<10000x128xf32, #tpu.memory_space<vmem_shared>> -> memref<10000x128xf32, #tpu.memory_space<vmem_shared>>
              tpu.wait_indirect_dma semaphore(%arg24 : memref<!tpu.dma_semaphore, #tpu.memory_space<semaphore_mem>>) src(%arg11 : memref<40x128xf32, #tpu.memory_space<vmem>>) dst(%dma_wait3A_215 : memref<10000x128xf32, #tpu.memory_space<vmem_shared>>)
            } else {
            }
            %add3A_187 = arith.constant 2 : i32
            %add3A_188 = arith.addi %scan3A_91, %add3A_187 : i32
            %dma_start3A_189 = arith.constant 0 : i32
            %dma_start3A_190 = tpu.memref_slice %arg7[%add3A_188, %dma_start3A_189] : memref<50x40xi32, #tpu.memory_space<vmem>> -> memref<1x40xi32, #tpu.memory_space<vmem>>
            %dma_start3A_191 = tpu.memref_squeeze %dma_start3A_190 : memref<1x40xi32, #tpu.memory_space<vmem>> -> memref<40xi32, #tpu.memory_space<vmem>>
            %dma_start3A_192 = arith.constant 0 : i32
            %dma_start3A_193 = arith.constant 0 : i32
            %dma_start3A_194 = tpu.memref_slice %arg2[%dma_start3A_192, %dma_start3A_193] : memref<10000x128xf32, #tpu.memory_space<hbm>> -> memref<10000x128xf32, #tpu.memory_space<hbm>>
            tpu.enqueue_indirect_dma source(%dma_start3A_194 : memref<10000x128xf32, #tpu.memory_space<hbm>>) target(%arg11 : memref<40x128xf32, #tpu.memory_space<vmem>>) offsets(%dma_start3A_191 : memref<40xi32, #tpu.memory_space<vmem>>) semaphore(%arg18 : memref<!tpu.dma_semaphore, #tpu.memory_space<semaphore_mem>>)
            %add3A_195 = arith.constant 2 : i32
            %add3A_196 = arith.addi %scan3A_91, %add3A_195 : i32
            %mul3A_197 = arith.constant 5 : i32
            %mul3A_198 = arith.muli %add3A, %mul3A_197 : i32
            %add3A_199 = arith.addi %mul3A_198, %scan3A_25 : i32
            %mul3A_200 = arith.constant 50 : i32
            %mul3A_201 = arith.muli %add3A_199, %mul3A_200 : i32
            %add3A_202 = arith.addi %mul3A_201, %add3A_196 : i32
            %mul3A_203 = arith.constant 40 : i32
            %mul3A_204 = arith.muli %add3A_202, %mul3A_203 : i32
            %dma_start3A_205 = arith.constant 0 : i32
            %dma_start3A_206 = tpu.memref_slice %arg3[%mul3A_204, %dma_start3A_205] : memref<320000x64xf32, #tpu.memory_space<hbm>> -> memref<40x64xf32, #tpu.memory_space<hbm>>
            %dma_start3A_207 = arith.constant 0 : i32
            %dma_start3A_208 = tpu.memref_slice %arg3[%mul3A_204, %dma_start3A_207] : memref<320000x64xf32, #tpu.memory_space<hbm>> -> memref<40x64xf32, #tpu.memory_space<hbm>>
            tpu.enqueue_dma source(%dma_start3A_208 : memref<40x64xf32, #tpu.memory_space<hbm>>) target(%arg14 : memref<40x64xf32, #tpu.memory_space<vmem>>) target_semaphore(%arg21 : memref<!tpu.dma_semaphore, #tpu.memory_space<semaphore_mem>>)
          } else {
          }
        } else {
        }
        %jit3A_104 = arith.constant 3 : i32
        %eq3A_105 = arith.constant 0 : i32
        %eq3A_106 = arith.cmpi eq, %jit3A_104, %eq3A_105 : i32
        %jit3A_107 = arith.constant 1 : i32
        %select_n3A_108 = arith.select %eq3A_106, %jit3A_107, %jit3A_104 : i32
        %rem3A_109 = arith.remsi %scan3A_91, %select_n3A_108 : i32
        %ne3A_110 = arith.constant 0 : i32
        %ne3A_111 = arith.cmpi ne, %rem3A_109, %ne3A_110 : i32
        %lt3A_112 = arith.constant 0 : i32
        %lt3A_113 = arith.cmpi slt, %rem3A_109, %lt3A_112 : i32
        %lt3A_114 = arith.constant 0 : i32
        %lt3A_115 = arith.cmpi slt, %select_n3A_108, %lt3A_114 : i32
        %ne3A_116 = arith.xori %lt3A_113, %lt3A_115 : i1
        %and3A_117 = arith.andi %ne3A_116, %ne3A_111 : i1
        %add3A_118 = arith.addi %rem3A_109, %select_n3A_108 : i32
        %select_n3A_119 = arith.select %and3A_117, %add3A_118, %rem3A_109 : i32
        %eq3A_120 = arith.constant 1 : i32
        %eq3A_121 = arith.cmpi eq, %select_n3A_119, %eq3A_120 : i32
        %convert_element_type3A_122 = arith.extui %eq3A_121 : i1 to i32
        %cond3A_123 = arith.constant 0 : i32
        %cond3A_124 = arith.cmpi ne, %convert_element_type3A_122, %cond3A_123 : i32
        scf.if %cond3A_124 {
          %dma_wait3A_146 = arith.constant 0 : i32
          %dma_wait3A_147 = tpu.memref_slice %arg7[%scan3A_91, %dma_wait3A_146] : memref<50x40xi32, #tpu.memory_space<vmem>> -> memref<1x40xi32, #tpu.memory_space<vmem>>
          %dma_wait3A_148 = tpu.memref_squeeze %dma_wait3A_147 : memref<1x40xi32, #tpu.memory_space<vmem>> -> memref<40xi32, #tpu.memory_space<vmem>>
          %dma_wait3A_149 = arith.constant 0 : i32
          %dma_wait3A_150 = arith.constant 0 : i32
          %dma_wait3A_151 = tpu.memref_slice %arg2[%dma_wait3A_149, %dma_wait3A_150] : memref<10000x128xf32, #tpu.memory_space<hbm>> -> memref<10000x128xf32, #tpu.memory_space<hbm>>
          tpu.wait_indirect_dma semaphore(%arg17 : memref<!tpu.dma_semaphore, #tpu.memory_space<semaphore_mem>>) src(%dma_wait3A_151 : memref<10000x128xf32, #tpu.memory_space<hbm>>) dst(%arg10 : memref<40x128xf32, #tpu.memory_space<vmem>>)
          %mul3A_152 = arith.constant 5 : i32
          %mul3A_153 = arith.muli %add3A, %mul3A_152 : i32
          %add3A_154 = arith.addi %mul3A_153, %scan3A_25 : i32
          %mul3A_155 = arith.constant 50 : i32
          %mul3A_156 = arith.muli %add3A_154, %mul3A_155 : i32
          %add3A_157 = arith.addi %mul3A_156, %scan3A_91 : i32
          %mul3A_158 = arith.constant 40 : i32
          %mul3A_159 = arith.muli %add3A_157, %mul3A_158 : i32
          %dma_wait3A_160 = arith.constant 0 : i32
          %dma_wait3A_161 = tpu.memref_slice %arg3[%mul3A_159, %dma_wait3A_160] : memref<320000x64xf32, #tpu.memory_space<hbm>> -> memref<40x64xf32, #tpu.memory_space<hbm>>
          %dma_wait3A_162 = arith.constant 0 : i32
          %dma_wait3A_163 = tpu.memref_slice %arg3[%mul3A_159, %dma_wait3A_162] : memref<320000x64xf32, #tpu.memory_space<hbm>> -> memref<40x64xf32, #tpu.memory_space<hbm>>
          tpu.wait_dma2 semaphore(%arg20 : memref<!tpu.dma_semaphore, #tpu.memory_space<semaphore_mem>>) src(%dma_wait3A_163 : memref<40x64xf32, #tpu.memory_space<hbm>>) dst(%arg13 : memref<40x64xf32, #tpu.memory_space<vmem>>)
          %scan3A_164 = arith.constant 0 : i32
          %scan3A_165 = arith.constant 0 : i32
          %scan3A_166 = arith.constant 40 : i32
          %scan3A_167 = arith.addi %scan3A_165, %scan3A_166 : i32
          %scan3A_168 = arith.constant 1 : i32
          scf.for %scan3A_183 = %scan3A_165 to %scan3A_167 step %scan3A_168  : i32 {
            %get3A = arith.index_cast %scan3A_183 : i32 to index
            %get3A_184 = arith.constant 0 : index
            %get3A_185 = tpu.vector_load %arg13[%get3A, %get3A_184] {strides = array<i32>} : memref<40x64xf32, #tpu.memory_space<vmem>>, vector<16xf32>,
            %bitcast3A = vector.bitcast %get3A_185 : vector<16xf32> to vector<32xbf16>
            %unpack3A = tpu.unpack_subelements %bitcast3A, 0 {pack_format = #tpu.pack_format<interleaved>} : vector<32xbf16> -> vector<16xf32>
            %unpack3A_186 = tpu.unpack_subelements %bitcast3A, 1 {pack_format = #tpu.pack_format<interleaved>} : vector<32xbf16> -> vector<16xf32>
            %get3A_187 = arith.index_cast %scan3A_183 : i32 to index
            %get3A_188 = arith.constant 0 : index
            %get3A_189 = tpu.vector_load %arg10[%get3A_187, %get3A_188] {strides = array<i32>} : memref<40x128xf32, #tpu.memory_space<vmem>>, vector<16xf32>,
            %mul3A_190 = arith.mulf %unpack3A, %get3A_189 : vector<16xf32>
            %swap3A = arith.index_cast %scan3A_183 : i32 to index
            %swap3A_191 = arith.constant 0 : index
            %swap3A_192 = tpu.vector_load %arg10[%swap3A, %swap3A_191] {strides = array<i32>} : memref<40x128xf32, #tpu.memory_space<vmem>>, vector<16xf32>,
            tpu.vector_store %arg10[%swap3A, %swap3A_191], %mul3A_190 {strides = array<i32>} : memref<40x128xf32, #tpu.memory_space<vmem>>, vector<16xf32>,
            %get3A_193 = arith.index_cast %scan3A_183 : i32 to index
            %get3A_194 = arith.constant 64 : index
            %get3A_195 = tpu.vector_load %arg10[%get3A_193, %get3A_194] {strides = array<i32>} : memref<40x128xf32, #tpu.memory_space<vmem>>, vector<16xf32>,
            %mul3A_196 = arith.mulf %unpack3A_186, %get3A_195 : vector<16xf32>
            %swap3A_197 = arith.index_cast %scan3A_183 : i32 to index
            %swap3A_198 = arith.constant 64 : index
            %swap3A_199 = tpu.vector_load %arg10[%swap3A_197, %swap3A_198] {strides = array<i32>} : memref<40x128xf32, #tpu.memory_space<vmem>>, vector<16xf32>,
            tpu.vector_store %arg10[%swap3A_197, %swap3A_198], %mul3A_196 {strides = array<i32>} : memref<40x128xf32, #tpu.memory_space<vmem>>, vector<16xf32>,
            %get3A_200 = arith.index_cast %scan3A_183 : i32 to index
            %get3A_201 = arith.constant 16 : index
            %get3A_202 = tpu.vector_load %arg13[%get3A_200, %get3A_201] {strides = array<i32>} : memref<40x64xf32, #tpu.memory_space<vmem>>, vector<16xf32>,
            %bitcast3A_203 = vector.bitcast %get3A_202 : vector<16xf32> to vector<32xbf16>
            %unpack3A_204 = tpu.unpack_subelements %bitcast3A_203, 0 {pack_format = #tpu.pack_format<interleaved>} : vector<32xbf16> -> vector<16xf32>
            %unpack3A_205 = tpu.unpack_subelements %bitcast3A_203, 1 {pack_format = #tpu.pack_format<interleaved>} : vector<32xbf16> -> vector<16xf32>
            %get3A_206 = arith.index_cast %scan3A_183 : i32 to index
            %get3A_207 = arith.constant 16 : index
            %get3A_208 = tpu.vector_load %arg10[%get3A_206, %get3A_207] {strides = array<i32>} : memref<40x128xf32, #tpu.memory_space<vmem>>, vector<16xf32>,
            %mul3A_209 = arith.mulf %unpack3A_204, %get3A_208 : vector<16xf32>
            %swap3A_210 = arith.index_cast %scan3A_183 : i32 to index
            %swap3A_211 = arith.constant 16 : index
            %swap3A_212 = tpu.vector_load %arg10[%swap3A_210, %swap3A_211] {strides = array<i32>} : memref<40x128xf32, #tpu.memory_space<vmem>>, vector<16xf32>,
            tpu.vector_store %arg10[%swap3A_210, %swap3A_211], %mul3A_209 {strides = array<i32>} : memref<40x128xf32, #tpu.memory_space<vmem>>, vector<16xf32>,
            %get3A_213 = arith.index_cast %scan3A_183 : i32 to index
            %get3A_214 = arith.constant 80 : index
            %get3A_215 = tpu.vector_load %arg10[%get3A_213, %get3A_214] {strides = array<i32>} : memref<40x128xf32, #tpu.memory_space<vmem>>, vector<16xf32>,
            %mul3A_216 = arith.mulf %unpack3A_205, %get3A_215 : vector<16xf32>
            %swap3A_217 = arith.index_cast %scan3A_183 : i32 to index
            %swap3A_218 = arith.constant 80 : index
            %swap3A_219 = tpu.vector_load %arg10[%swap3A_217, %swap3A_218] {strides = array<i32>} : memref<40x128xf32, #tpu.memory_space<vmem>>, vector<16xf32>,
            tpu.vector_store %arg10[%swap3A_217, %swap3A_218], %mul3A_216 {strides = array<i32>} : memref<40x128xf32, #tpu.memory_space<vmem>>, vector<16xf32>,
            %get3A_220 = arith.index_cast %scan3A_183 : i32 to index
            %get3A_221 = arith.constant 32 : index
            %get3A_222 = tpu.vector_load %arg13[%get3A_220, %get3A_221] {strides = array<i32>} : memref<40x64xf32, #tpu.memory_space<vmem>>, vector<16xf32>,
            %bitcast3A_223 = vector.bitcast %get3A_222 : vector<16xf32> to vector<32xbf16>
            %unpack3A_224 = tpu.unpack_subelements %bitcast3A_223, 0 {pack_format = #tpu.pack_format<interleaved>} : vector<32xbf16> -> vector<16xf32>
            %unpack3A_225 = tpu.unpack_subelements %bitcast3A_223, 1 {pack_format = #tpu.pack_format<interleaved>} : vector<32xbf16> -> vector<16xf32>
            %get3A_226 = arith.index_cast %scan3A_183 : i32 to index
            %get3A_227 = arith.constant 32 : index
            %get3A_228 = tpu.vector_load %arg10[%get3A_226, %get3A_227] {strides = array<i32>} : memref<40x128xf32, #tpu.memory_space<vmem>>, vector<16xf32>,
            %mul3A_229 = arith.mulf %unpack3A_224, %get3A_228 : vector<16xf32>
            %swap3A_230 = arith.index_cast %scan3A_183 : i32 to index
            %swap3A_231 = arith.constant 32 : index
            %swap3A_232 = tpu.vector_load %arg10[%swap3A_230, %swap3A_231] {strides = array<i32>} : memref<40x128xf32, #tpu.memory_space<vmem>>, vector<16xf32>,
            tpu.vector_store %arg10[%swap3A_230, %swap3A_231], %mul3A_229 {strides = array<i32>} : memref<40x128xf32, #tpu.memory_space<vmem>>, vector<16xf32>,
            %get3A_233 = arith.index_cast %scan3A_183 : i32 to index
            %get3A_234 = arith.constant 96 : index
            %get3A_235 = tpu.vector_load %arg10[%get3A_233, %get3A_234] {strides = array<i32>} : memref<40x128xf32, #tpu.memory_space<vmem>>, vector<16xf32>,
            %mul3A_236 = arith.mulf %unpack3A_225, %get3A_235 : vector<16xf32>
            %swap3A_237 = arith.index_cast %scan3A_183 : i32 to index
            %swap3A_238 = arith.constant 96 : index
            %swap3A_239 = tpu.vector_load %arg10[%swap3A_237, %swap3A_238] {strides = array<i32>} : memref<40x128xf32, #tpu.memory_space<vmem>>, vector<16xf32>,
            tpu.vector_store %arg10[%swap3A_237, %swap3A_238], %mul3A_236 {strides = array<i32>} : memref<40x128xf32, #tpu.memory_space<vmem>>, vector<16xf32>,
            %get3A_240 = arith.index_cast %scan3A_183 : i32 to index
            %get3A_241 = arith.constant 48 : index
            %get3A_242 = tpu.vector_load %arg13[%get3A_240, %get3A_241] {strides = array<i32>} : memref<40x64xf32, #tpu.memory_space<vmem>>, vector<16xf32>,
            %bitcast3A_243 = vector.bitcast %get3A_242 : vector<16xf32> to vector<32xbf16>
            %unpack3A_244 = tpu.unpack_subelements %bitcast3A_243, 0 {pack_format = #tpu.pack_format<interleaved>} : vector<32xbf16> -> vector<16xf32>
            %unpack3A_245 = tpu.unpack_subelements %bitcast3A_243, 1 {pack_format = #tpu.pack_format<interleaved>} : vector<32xbf16> -> vector<16xf32>
            %get3A_246 = arith.index_cast %scan3A_183 : i32 to index
            %get3A_247 = arith.constant 48 : index
            %get3A_248 = tpu.vector_load %arg10[%get3A_246, %get3A_247] {strides = array<i32>} : memref<40x128xf32, #tpu.memory_space<vmem>>, vector<16xf32>,
            %mul3A_249 = arith.mulf %unpack3A_244, %get3A_248 : vector<16xf32>
            %swap3A_250 = arith.index_cast %scan3A_183 : i32 to index
            %swap3A_251 = arith.constant 48 : index
            %swap3A_252 = tpu.vector_load %arg10[%swap3A_250, %swap3A_251] {strides = array<i32>} : memref<40x128xf32, #tpu.memory_space<vmem>>, vector<16xf32>,
            tpu.vector_store %arg10[%swap3A_250, %swap3A_251], %mul3A_249 {strides = array<i32>} : memref<40x128xf32, #tpu.memory_space<vmem>>, vector<16xf32>,
            %get3A_253 = arith.index_cast %scan3A_183 : i32 to index
            %get3A_254 = arith.constant 112 : index
            %get3A_255 = tpu.vector_load %arg10[%get3A_253, %get3A_254] {strides = array<i32>} : memref<40x128xf32, #tpu.memory_space<vmem>>, vector<16xf32>,
            %mul3A_256 = arith.mulf %unpack3A_245, %get3A_255 : vector<16xf32>
            %swap3A_257 = arith.index_cast %scan3A_183 : i32 to index
            %swap3A_258 = arith.constant 112 : index
            %swap3A_259 = tpu.vector_load %arg10[%swap3A_257, %swap3A_258] {strides = array<i32>} : memref<40x128xf32, #tpu.memory_space<vmem>>, vector<16xf32>,
            tpu.vector_store %arg10[%swap3A_257, %swap3A_258], %mul3A_256 {strides = array<i32>} : memref<40x128xf32, #tpu.memory_space<vmem>>, vector<16xf32>,
          }
          %scan3A_169 = arith.constant 40 : i32
          %dma_start3A_170 = arith.constant 0 : i32
          %dma_start3A_171 = tpu.memref_slice %arg8[%scan3A_91, %dma_start3A_170] : memref<50x40xi32, #tpu.memory_space<vmem>> -> memref<1x40xi32, #tpu.memory_space<vmem>>
          %dma_start3A_172 = tpu.memref_squeeze %dma_start3A_171 : memref<1x40xi32, #tpu.memory_space<vmem>> -> memref<40xi32, #tpu.memory_space<vmem>>
          %dma_start3A_173 = arith.constant 0 : i32
          %dma_start3A_174 = arith.constant 0 : i32
          %dma_start3A_175 = tpu.memref_slice %arg15[%dma_start3A_173, %dma_start3A_174] : memref<10000x128xf32, #tpu.memory_space<vmem_shared>> -> memref<10000x128xf32, #tpu.memory_space<vmem_shared>>
          tpu.enqueue_indirect_dma source(%arg10 : memref<40x128xf32, #tpu.memory_space<vmem>>) target(%dma_start3A_175 : memref<10000x128xf32, #tpu.memory_space<vmem_shared>>) offsets(%dma_start3A_172 : memref<40xi32, #tpu.memory_space<vmem>>) semaphore(%arg23 : memref<!tpu.dma_semaphore, #tpu.memory_space<semaphore_mem>>) {add = true}
          %add3A_176 = arith.constant 2 : i32
          %add3A_177 = arith.addi %scan3A_91, %add3A_176 : i32
          %lt3A_178 = arith.constant 50 : i32
          %lt3A_179 = arith.cmpi slt, %add3A_177, %lt3A_178 : i32
          %convert_element_type3A_180 = arith.extui %lt3A_179 : i1 to i32
          %cond3A_181 = arith.constant 0 : i32
          %cond3A_182 = arith.cmpi ne, %convert_element_type3A_180, %cond3A_181 : i32
          scf.if %cond3A_182 {
            %ge3A = arith.constant 1 : i32
            %ge3A_183 = arith.cmpi sge, %scan3A_91, %ge3A : i32
            %convert_element_type3A_184 = arith.extui %ge3A_183 : i1 to i32
            %cond3A_185 = arith.constant 0 : i32
            %cond3A_186 = arith.cmpi ne, %convert_element_type3A_184, %cond3A_185 : i32
            scf.if %cond3A_186 {
              %dma_wait3A_209 = arith.constant 0 : i32
              %dma_wait3A_210 = arith.constant 0 : i32
              %dma_wait3A_211 = tpu.memref_slice %arg8[%dma_wait3A_209, %dma_wait3A_210] : memref<50x40xi32, #tpu.memory_space<vmem>> -> memref<1x40xi32, #tpu.memory_space<vmem>>
              %dma_wait3A_212 = tpu.memref_squeeze %dma_wait3A_211 : memref<1x40xi32, #tpu.memory_space<vmem>> -> memref<40xi32, #tpu.memory_space<vmem>>
              %dma_wait3A_213 = arith.constant 0 : i32
              %dma_wait3A_214 = arith.constant 0 : i32
              %dma_wait3A_215 = tpu.memref_slice %arg15[%dma_wait3A_213, %dma_wait3A_214] : memref<10000x128xf32, #tpu.memory_space<vmem_shared>> -> memref<10000x128xf32, #tpu.memory_space<vmem_shared>>
              tpu.wait_indirect_dma semaphore(%arg22 : memref<!tpu.dma_semaphore, #tpu.memory_space<semaphore_mem>>) src(%arg9 : memref<40x128xf32, #tpu.memory_space<vmem>>) dst(%dma_wait3A_215 : memref<10000x128xf32, #tpu.memory_space<vmem_shared>>)
            } else {
            }
            %add3A_187 = arith.constant 2 : i32
            %add3A_188 = arith.addi %scan3A_91, %add3A_187 : i32
            %dma_start3A_189 = arith.constant 0 : i32
            %dma_start3A_190 = tpu.memref_slice %arg7[%add3A_188, %dma_start3A_189] : memref<50x40xi32, #tpu.memory_space<vmem>> -> memref<1x40xi32, #tpu.memory_space<vmem>>
            %dma_start3A_191 = tpu.memref_squeeze %dma_start3A_190 : memref<1x40xi32, #tpu.memory_space<vmem>> -> memref<40xi32, #tpu.memory_space<vmem>>
            %dma_start3A_192 = arith.constant 0 : i32
            %dma_start3A_193 = arith.constant 0 : i32
            %dma_start3A_194 = tpu.memref_slice %arg2[%dma_start3A_192, %dma_start3A_193] : memref<10000x128xf32, #tpu.memory_space<hbm>> -> memref<10000x128xf32, #tpu.memory_space<hbm>>
            tpu.enqueue_indirect_dma source(%dma_start3A_194 : memref<10000x128xf32, #tpu.memory_space<hbm>>) target(%arg9 : memref<40x128xf32, #tpu.memory_space<vmem>>) offsets(%dma_start3A_191 : memref<40xi32, #tpu.memory_space<vmem>>) semaphore(%arg16 : memref<!tpu.dma_semaphore, #tpu.memory_space<semaphore_mem>>)
            %add3A_195 = arith.constant 2 : i32
            %add3A_196 = arith.addi %scan3A_91, %add3A_195 : i32
            %mul3A_197 = arith.constant 5 : i32
            %mul3A_198 = arith.muli %add3A, %mul3A_197 : i32
            %add3A_199 = arith.addi %mul3A_198, %scan3A_25 : i32
            %mul3A_200 = arith.constant 50 : i32
            %mul3A_201 = arith.muli %add3A_199, %mul3A_200 : i32
            %add3A_202 = arith.addi %mul3A_201, %add3A_196 : i32
            %mul3A_203 = arith.constant 40 : i32
            %mul3A_204 = arith.muli %add3A_202, %mul3A_203 : i32
            %dma_start3A_205 = arith.constant 0 : i32
            %dma_start3A_206 = tpu.memref_slice %arg3[%mul3A_204, %dma_start3A_205] : memref<320000x64xf32, #tpu.memory_space<hbm>> -> memref<40x64xf32, #tpu.memory_space<hbm>>
            %dma_start3A_207 = arith.constant 0 : i32
            %dma_start3A_208 = tpu.memref_slice %arg3[%mul3A_204, %dma_start3A_207] : memref<320000x64xf32, #tpu.memory_space<hbm>> -> memref<40x64xf32, #tpu.memory_space<hbm>>
            tpu.enqueue_dma source(%dma_start3A_208 : memref<40x64xf32, #tpu.memory_space<hbm>>) target(%arg12 : memref<40x64xf32, #tpu.memory_space<vmem>>) target_semaphore(%arg19 : memref<!tpu.dma_semaphore, #tpu.memory_space<semaphore_mem>>)
          } else {
          }
        } else {
        }
        %jit3A_125 = arith.constant 3 : i32
        %eq3A_126 = arith.constant 0 : i32
        %eq3A_127 = arith.cmpi eq, %jit3A_125, %eq3A_126 : i32
        %jit3A_128 = arith.constant 1 : i32
        %select_n3A_129 = arith.select %eq3A_127, %jit3A_128, %jit3A_125 : i32
        %rem3A_130 = arith.remsi %scan3A_91, %select_n3A_129 : i32
        %ne3A_131 = arith.constant 0 : i32
        %ne3A_132 = arith.cmpi ne, %rem3A_130, %ne3A_131 : i32
        %lt3A_133 = arith.constant 0 : i32
        %lt3A_134 = arith.cmpi slt, %rem3A_130, %lt3A_133 : i32
        %lt3A_135 = arith.constant 0 : i32
        %lt3A_136 = arith.cmpi slt, %select_n3A_129, %lt3A_135 : i32
        %ne3A_137 = arith.xori %lt3A_134, %lt3A_136 : i1
        %and3A_138 = arith.andi %ne3A_137, %ne3A_132 : i1
        %add3A_139 = arith.addi %rem3A_130, %select_n3A_129 : i32
        %select_n3A_140 = arith.select %and3A_138, %add3A_139, %rem3A_130 : i32
        %eq3A_141 = arith.constant 2 : i32
        %eq3A_142 = arith.cmpi eq, %select_n3A_140, %eq3A_141 : i32
        %convert_element_type3A_143 = arith.extui %eq3A_142 : i1 to i32
        %cond3A_144 = arith.constant 0 : i32
        %cond3A_145 = arith.cmpi ne, %convert_element_type3A_143, %cond3A_144 : i32
        scf.if %cond3A_145 {
          %dma_wait3A_146 = arith.constant 0 : i32
          %dma_wait3A_147 = tpu.memref_slice %arg7[%scan3A_91, %dma_wait3A_146] : memref<50x40xi32, #tpu.memory_space<vmem>> -> memref<1x40xi32, #tpu.memory_space<vmem>>
          %dma_wait3A_148 = tpu.memref_squeeze %dma_wait3A_147 : memref<1x40xi32, #tpu.memory_space<vmem>> -> memref<40xi32, #tpu.memory_space<vmem>>
          %dma_wait3A_149 = arith.constant 0 : i32
          %dma_wait3A_150 = arith.constant 0 : i32
          %dma_wait3A_151 = tpu.memref_slice %arg2[%dma_wait3A_149, %dma_wait3A_150] : memref<10000x128xf32, #tpu.memory_space<hbm>> -> memref<10000x128xf32, #tpu.memory_space<hbm>>
          tpu.wait_indirect_dma semaphore(%arg18 : memref<!tpu.dma_semaphore, #tpu.memory_space<semaphore_mem>>) src(%dma_wait3A_151 : memref<10000x128xf32, #tpu.memory_space<hbm>>) dst(%arg11 : memref<40x128xf32, #tpu.memory_space<vmem>>)
          %mul3A_152 = arith.constant 5 : i32
          %mul3A_153 = arith.muli %add3A, %mul3A_152 : i32
          %add3A_154 = arith.addi %mul3A_153, %scan3A_25 : i32
          %mul3A_155 = arith.constant 50 : i32
          %mul3A_156 = arith.muli %add3A_154, %mul3A_155 : i32
          %add3A_157 = arith.addi %mul3A_156, %scan3A_91 : i32
          %mul3A_158 = arith.constant 40 : i32
          %mul3A_159 = arith.muli %add3A_157, %mul3A_158 : i32
          %dma_wait3A_160 = arith.constant 0 : i32
          %dma_wait3A_161 = tpu.memref_slice %arg3[%mul3A_159, %dma_wait3A_160] : memref<320000x64xf32, #tpu.memory_space<hbm>> -> memref<40x64xf32, #tpu.memory_space<hbm>>
          %dma_wait3A_162 = arith.constant 0 : i32
          %dma_wait3A_163 = tpu.memref_slice %arg3[%mul3A_159, %dma_wait3A_162] : memref<320000x64xf32, #tpu.memory_space<hbm>> -> memref<40x64xf32, #tpu.memory_space<hbm>>
          tpu.wait_dma2 semaphore(%arg21 : memref<!tpu.dma_semaphore, #tpu.memory_space<semaphore_mem>>) src(%dma_wait3A_163 : memref<40x64xf32, #tpu.memory_space<hbm>>) dst(%arg14 : memref<40x64xf32, #tpu.memory_space<vmem>>)
          %scan3A_164 = arith.constant 0 : i32
          %scan3A_165 = arith.constant 0 : i32
          %scan3A_166 = arith.constant 40 : i32
          %scan3A_167 = arith.addi %scan3A_165, %scan3A_166 : i32
          %scan3A_168 = arith.constant 1 : i32
          scf.for %scan3A_183 = %scan3A_165 to %scan3A_167 step %scan3A_168  : i32 {
            %get3A = arith.index_cast %scan3A_183 : i32 to index
            %get3A_184 = arith.constant 0 : index
            %get3A_185 = tpu.vector_load %arg14[%get3A, %get3A_184] {strides = array<i32>} : memref<40x64xf32, #tpu.memory_space<vmem>>, vector<16xf32>,
            %bitcast3A = vector.bitcast %get3A_185 : vector<16xf32> to vector<32xbf16>
            %unpack3A = tpu.unpack_subelements %bitcast3A, 0 {pack_format = #tpu.pack_format<interleaved>} : vector<32xbf16> -> vector<16xf32>
            %unpack3A_186 = tpu.unpack_subelements %bitcast3A, 1 {pack_format = #tpu.pack_format<interleaved>} : vector<32xbf16> -> vector<16xf32>
            %get3A_187 = arith.index_cast %scan3A_183 : i32 to index
            %get3A_188 = arith.constant 0 : index
            %get3A_189 = tpu.vector_load %arg11[%get3A_187, %get3A_188] {strides = array<i32>} : memref<40x128xf32, #tpu.memory_space<vmem>>, vector<16xf32>,
            %mul3A_190 = arith.mulf %unpack3A, %get3A_189 : vector<16xf32>
            %swap3A = arith.index_cast %scan3A_183 : i32 to index
            %swap3A_191 = arith.constant 0 : index
            %swap3A_192 = tpu.vector_load %arg11[%swap3A, %swap3A_191] {strides = array<i32>} : memref<40x128xf32, #tpu.memory_space<vmem>>, vector<16xf32>,
            tpu.vector_store %arg11[%swap3A, %swap3A_191], %mul3A_190 {strides = array<i32>} : memref<40x128xf32, #tpu.memory_space<vmem>>, vector<16xf32>,
            %get3A_193 = arith.index_cast %scan3A_183 : i32 to index
            %get3A_194 = arith.constant 64 : index
            %get3A_195 = tpu.vector_load %arg11[%get3A_193, %get3A_194] {strides = array<i32>} : memref<40x128xf32, #tpu.memory_space<vmem>>, vector<16xf32>,
            %mul3A_196 = arith.mulf %unpack3A_186, %get3A_195 : vector<16xf32>
            %swap3A_197 = arith.index_cast %scan3A_183 : i32 to index
            %swap3A_198 = arith.constant 64 : index
            %swap3A_199 = tpu.vector_load %arg11[%swap3A_197, %swap3A_198] {strides = array<i32>} : memref<40x128xf32, #tpu.memory_space<vmem>>, vector<16xf32>,
            tpu.vector_store %arg11[%swap3A_197, %swap3A_198], %mul3A_196 {strides = array<i32>} : memref<40x128xf32, #tpu.memory_space<vmem>>, vector<16xf32>,
            %get3A_200 = arith.index_cast %scan3A_183 : i32 to index
            %get3A_201 = arith.constant 16 : index
            %get3A_202 = tpu.vector_load %arg14[%get3A_200, %get3A_201] {strides = array<i32>} : memref<40x64xf32, #tpu.memory_space<vmem>>, vector<16xf32>,
            %bitcast3A_203 = vector.bitcast %get3A_202 : vector<16xf32> to vector<32xbf16>
            %unpack3A_204 = tpu.unpack_subelements %bitcast3A_203, 0 {pack_format = #tpu.pack_format<interleaved>} : vector<32xbf16> -> vector<16xf32>
            %unpack3A_205 = tpu.unpack_subelements %bitcast3A_203, 1 {pack_format = #tpu.pack_format<interleaved>} : vector<32xbf16> -> vector<16xf32>
            %get3A_206 = arith.index_cast %scan3A_183 : i32 to index
            %get3A_207 = arith.constant 16 : index
            %get3A_208 = tpu.vector_load %arg11[%get3A_206, %get3A_207] {strides = array<i32>} : memref<40x128xf32, #tpu.memory_space<vmem>>, vector<16xf32>,
            %mul3A_209 = arith.mulf %unpack3A_204, %get3A_208 : vector<16xf32>
            %swap3A_210 = arith.index_cast %scan3A_183 : i32 to index
            %swap3A_211 = arith.constant 16 : index
            %swap3A_212 = tpu.vector_load %arg11[%swap3A_210, %swap3A_211] {strides = array<i32>} : memref<40x128xf32, #tpu.memory_space<vmem>>, vector<16xf32>,
            tpu.vector_store %arg11[%swap3A_210, %swap3A_211], %mul3A_209 {strides = array<i32>} : memref<40x128xf32, #tpu.memory_space<vmem>>, vector<16xf32>,
            %get3A_213 = arith.index_cast %scan3A_183 : i32 to index
            %get3A_214 = arith.constant 80 : index
            %get3A_215 = tpu.vector_load %arg11[%get3A_213, %get3A_214] {strides = array<i32>} : memref<40x128xf32, #tpu.memory_space<vmem>>, vector<16xf32>,
            %mul3A_216 = arith.mulf %unpack3A_205, %get3A_215 : vector<16xf32>
            %swap3A_217 = arith.index_cast %scan3A_183 : i32 to index
            %swap3A_218 = arith.constant 80 : index
            %swap3A_219 = tpu.vector_load %arg11[%swap3A_217, %swap3A_218] {strides = array<i32>} : memref<40x128xf32, #tpu.memory_space<vmem>>, vector<16xf32>,
            tpu.vector_store %arg11[%swap3A_217, %swap3A_218], %mul3A_216 {strides = array<i32>} : memref<40x128xf32, #tpu.memory_space<vmem>>, vector<16xf32>,
            %get3A_220 = arith.index_cast %scan3A_183 : i32 to index
            %get3A_221 = arith.constant 32 : index
            %get3A_222 = tpu.vector_load %arg14[%get3A_220, %get3A_221] {strides = array<i32>} : memref<40x64xf32, #tpu.memory_space<vmem>>, vector<16xf32>,
            %bitcast3A_223 = vector.bitcast %get3A_222 : vector<16xf32> to vector<32xbf16>
            %unpack3A_224 = tpu.unpack_subelements %bitcast3A_223, 0 {pack_format = #tpu.pack_format<interleaved>} : vector<32xbf16> -> vector<16xf32>
            %unpack3A_225 = tpu.unpack_subelements %bitcast3A_223, 1 {pack_format = #tpu.pack_format<interleaved>} : vector<32xbf16> -> vector<16xf32>
            %get3A_226 = arith.index_cast %scan3A_183 : i32 to index
            %get3A_227 = arith.constant 32 : index
            %get3A_228 = tpu.vector_load %arg11[%get3A_226, %get3A_227] {strides = array<i32>} : memref<40x128xf32, #tpu.memory_space<vmem>>, vector<16xf32>,
            %mul3A_229 = arith.mulf %unpack3A_224, %get3A_228 : vector<16xf32>
            %swap3A_230 = arith.index_cast %scan3A_183 : i32 to index
            %swap3A_231 = arith.constant 32 : index
            %swap3A_232 = tpu.vector_load %arg11[%swap3A_230, %swap3A_231] {strides = array<i32>} : memref<40x128xf32, #tpu.memory_space<vmem>>, vector<16xf32>,
            tpu.vector_store %arg11[%swap3A_230, %swap3A_231], %mul3A_229 {strides = array<i32>} : memref<40x128xf32, #tpu.memory_space<vmem>>, vector<16xf32>,
            %get3A_233 = arith.index_cast %scan3A_183 : i32 to index
            %get3A_234 = arith.constant 96 : index
            %get3A_235 = tpu.vector_load %arg11[%get3A_233, %get3A_234] {strides = array<i32>} : memref<40x128xf32, #tpu.memory_space<vmem>>, vector<16xf32>,
            %mul3A_236 = arith.mulf %unpack3A_225, %get3A_235 : vector<16xf32>
            %swap3A_237 = arith.index_cast %scan3A_183 : i32 to index
            %swap3A_238 = arith.constant 96 : index
            %swap3A_239 = tpu.vector_load %arg11[%swap3A_237, %swap3A_238] {strides = array<i32>} : memref<40x128xf32, #tpu.memory_space<vmem>>, vector<16xf32>,
            tpu.vector_store %arg11[%swap3A_237, %swap3A_238], %mul3A_236 {strides = array<i32>} : memref<40x128xf32, #tpu.memory_space<vmem>>, vector<16xf32>,
            %get3A_240 = arith.index_cast %scan3A_183 : i32 to index
            %get3A_241 = arith.constant 48 : index
            %get3A_242 = tpu.vector_load %arg14[%get3A_240, %get3A_241] {strides = array<i32>} : memref<40x64xf32, #tpu.memory_space<vmem>>, vector<16xf32>,
            %bitcast3A_243 = vector.bitcast %get3A_242 : vector<16xf32> to vector<32xbf16>
            %unpack3A_244 = tpu.unpack_subelements %bitcast3A_243, 0 {pack_format = #tpu.pack_format<interleaved>} : vector<32xbf16> -> vector<16xf32>
            %unpack3A_245 = tpu.unpack_subelements %bitcast3A_243, 1 {pack_format = #tpu.pack_format<interleaved>} : vector<32xbf16> -> vector<16xf32>
            %get3A_246 = arith.index_cast %scan3A_183 : i32 to index
            %get3A_247 = arith.constant 48 : index
            %get3A_248 = tpu.vector_load %arg11[%get3A_246, %get3A_247] {strides = array<i32>} : memref<40x128xf32, #tpu.memory_space<vmem>>, vector<16xf32>,
            %mul3A_249 = arith.mulf %unpack3A_244, %get3A_248 : vector<16xf32>
            %swap3A_250 = arith.index_cast %scan3A_183 : i32 to index
            %swap3A_251 = arith.constant 48 : index
            %swap3A_252 = tpu.vector_load %arg11[%swap3A_250, %swap3A_251] {strides = array<i32>} : memref<40x128xf32, #tpu.memory_space<vmem>>, vector<16xf32>,
            tpu.vector_store %arg11[%swap3A_250, %swap3A_251], %mul3A_249 {strides = array<i32>} : memref<40x128xf32, #tpu.memory_space<vmem>>, vector<16xf32>,
            %get3A_253 = arith.index_cast %scan3A_183 : i32 to index
            %get3A_254 = arith.constant 112 : index
            %get3A_255 = tpu.vector_load %arg11[%get3A_253, %get3A_254] {strides = array<i32>} : memref<40x128xf32, #tpu.memory_space<vmem>>, vector<16xf32>,
            %mul3A_256 = arith.mulf %unpack3A_245, %get3A_255 : vector<16xf32>
            %swap3A_257 = arith.index_cast %scan3A_183 : i32 to index
            %swap3A_258 = arith.constant 112 : index
            %swap3A_259 = tpu.vector_load %arg11[%swap3A_257, %swap3A_258] {strides = array<i32>} : memref<40x128xf32, #tpu.memory_space<vmem>>, vector<16xf32>,
            tpu.vector_store %arg11[%swap3A_257, %swap3A_258], %mul3A_256 {strides = array<i32>} : memref<40x128xf32, #tpu.memory_space<vmem>>, vector<16xf32>,
          }
          %scan3A_169 = arith.constant 40 : i32
          %dma_start3A_170 = arith.constant 0 : i32
          %dma_start3A_171 = tpu.memref_slice %arg8[%scan3A_91, %dma_start3A_170] : memref<50x40xi32, #tpu.memory_space<vmem>> -> memref<1x40xi32, #tpu.memory_space<vmem>>
          %dma_start3A_172 = tpu.memref_squeeze %dma_start3A_171 : memref<1x40xi32, #tpu.memory_space<vmem>> -> memref<40xi32, #tpu.memory_space<vmem>>
          %dma_start3A_173 = arith.constant 0 : i32
          %dma_start3A_174 = arith.constant 0 : i32
          %dma_start3A_175 = tpu.memref_slice %arg15[%dma_start3A_173, %dma_start3A_174] : memref<10000x128xf32, #tpu.memory_space<vmem_shared>> -> memref<10000x128xf32, #tpu.memory_space<vmem_shared>>
          tpu.enqueue_indirect_dma source(%arg11 : memref<40x128xf32, #tpu.memory_space<vmem>>) target(%dma_start3A_175 : memref<10000x128xf32, #tpu.memory_space<vmem_shared>>) offsets(%dma_start3A_172 : memref<40xi32, #tpu.memory_space<vmem>>) semaphore(%arg24 : memref<!tpu.dma_semaphore, #tpu.memory_space<semaphore_mem>>) {add = true}
          %add3A_176 = arith.constant 2 : i32
          %add3A_177 = arith.addi %scan3A_91, %add3A_176 : i32
          %lt3A_178 = arith.constant 50 : i32
          %lt3A_179 = arith.cmpi slt, %add3A_177, %lt3A_178 : i32
          %convert_element_type3A_180 = arith.extui %lt3A_179 : i1 to i32
          %cond3A_181 = arith.constant 0 : i32
          %cond3A_182 = arith.cmpi ne, %convert_element_type3A_180, %cond3A_181 : i32
          scf.if %cond3A_182 {
            %ge3A = arith.constant 1 : i32
            %ge3A_183 = arith.cmpi sge, %scan3A_91, %ge3A : i32
            %convert_element_type3A_184 = arith.extui %ge3A_183 : i1 to i32
            %cond3A_185 = arith.constant 0 : i32
            %cond3A_186 = arith.cmpi ne, %convert_element_type3A_184, %cond3A_185 : i32
            scf.if %cond3A_186 {
              %dma_wait3A_209 = arith.constant 0 : i32
              %dma_wait3A_210 = arith.constant 0 : i32
              %dma_wait3A_211 = tpu.memref_slice %arg8[%dma_wait3A_209, %dma_wait3A_210] : memref<50x40xi32, #tpu.memory_space<vmem>> -> memref<1x40xi32, #tpu.memory_space<vmem>>
              %dma_wait3A_212 = tpu.memref_squeeze %dma_wait3A_211 : memref<1x40xi32, #tpu.memory_space<vmem>> -> memref<40xi32, #tpu.memory_space<vmem>>
              %dma_wait3A_213 = arith.constant 0 : i32
              %dma_wait3A_214 = arith.constant 0 : i32
              %dma_wait3A_215 = tpu.memref_slice %arg15[%dma_wait3A_213, %dma_wait3A_214] : memref<10000x128xf32, #tpu.memory_space<vmem_shared>> -> memref<10000x128xf32, #tpu.memory_space<vmem_shared>>
              tpu.wait_indirect_dma semaphore(%arg23 : memref<!tpu.dma_semaphore, #tpu.memory_space<semaphore_mem>>) src(%arg10 : memref<40x128xf32, #tpu.memory_space<vmem>>) dst(%dma_wait3A_215 : memref<10000x128xf32, #tpu.memory_space<vmem_shared>>)
            } else {
            }
            %add3A_187 = arith.constant 2 : i32
            %add3A_188 = arith.addi %scan3A_91, %add3A_187 : i32
            %dma_start3A_189 = arith.constant 0 : i32
            %dma_start3A_190 = tpu.memref_slice %arg7[%add3A_188, %dma_start3A_189] : memref<50x40xi32, #tpu.memory_space<vmem>> -> memref<1x40xi32, #tpu.memory_space<vmem>>
            %dma_start3A_191 = tpu.memref_squeeze %dma_start3A_190 : memref<1x40xi32, #tpu.memory_space<vmem>> -> memref<40xi32, #tpu.memory_space<vmem>>
            %dma_start3A_192 = arith.constant 0 : i32
            %dma_start3A_193 = arith.constant 0 : i32
            %dma_start3A_194 = tpu.memref_slice %arg2[%dma_start3A_192, %dma_start3A_193] : memref<10000x128xf32, #tpu.memory_space<hbm>> -> memref<10000x128xf32, #tpu.memory_space<hbm>>
            tpu.enqueue_indirect_dma source(%dma_start3A_194 : memref<10000x128xf32, #tpu.memory_space<hbm>>) target(%arg10 : memref<40x128xf32, #tpu.memory_space<vmem>>) offsets(%dma_start3A_191 : memref<40xi32, #tpu.memory_space<vmem>>) semaphore(%arg17 : memref<!tpu.dma_semaphore, #tpu.memory_space<semaphore_mem>>)
            %add3A_195 = arith.constant 2 : i32
            %add3A_196 = arith.addi %scan3A_91, %add3A_195 : i32
            %mul3A_197 = arith.constant 5 : i32
            %mul3A_198 = arith.muli %add3A, %mul3A_197 : i32
            %add3A_199 = arith.addi %mul3A_198, %scan3A_25 : i32
            %mul3A_200 = arith.constant 50 : i32
            %mul3A_201 = arith.muli %add3A_199, %mul3A_200 : i32
            %add3A_202 = arith.addi %mul3A_201, %add3A_196 : i32
            %mul3A_203 = arith.constant 40 : i32
            %mul3A_204 = arith.muli %add3A_202, %mul3A_203 : i32
            %dma_start3A_205 = arith.constant 0 : i32
            %dma_start3A_206 = tpu.memref_slice %arg3[%mul3A_204, %dma_start3A_205] : memref<320000x64xf32, #tpu.memory_space<hbm>> -> memref<40x64xf32, #tpu.memory_space<hbm>>
            %dma_start3A_207 = arith.constant 0 : i32
            %dma_start3A_208 = tpu.memref_slice %arg3[%mul3A_204, %dma_start3A_207] : memref<320000x64xf32, #tpu.memory_space<hbm>> -> memref<40x64xf32, #tpu.memory_space<hbm>>
            tpu.enqueue_dma source(%dma_start3A_208 : memref<40x64xf32, #tpu.memory_space<hbm>>) target(%arg13 : memref<40x64xf32, #tpu.memory_space<vmem>>) target_semaphore(%arg20 : memref<!tpu.dma_semaphore, #tpu.memory_space<semaphore_mem>>)
          } else {
          }
        } else {
        }
      }
      %scan3A_70 = arith.constant 50 : i32
      %dma_wait3A = arith.constant 0 : i32
      %dma_wait3A_71 = arith.constant 0 : i32
      %dma_wait3A_72 = tpu.memref_slice %arg8[%dma_wait3A, %dma_wait3A_71] : memref<50x40xi32, #tpu.memory_space<vmem>> -> memref<1x40xi32, #tpu.memory_space<vmem>>
      %dma_wait3A_73 = tpu.memref_squeeze %dma_wait3A_72 : memref<1x40xi32, #tpu.memory_space<vmem>> -> memref<40xi32, #tpu.memory_space<vmem>>
      %dma_wait3A_74 = arith.constant 0 : i32
      %dma_wait3A_75 = arith.constant 0 : i32
      %dma_wait3A_76 = tpu.memref_slice %arg15[%dma_wait3A_74, %dma_wait3A_75] : memref<10000x128xf32, #tpu.memory_space<vmem_shared>> -> memref<10000x128xf32, #tpu.memory_space<vmem_shared>>
      tpu.wait_indirect_dma semaphore(%arg22 : memref<!tpu.dma_semaphore, #tpu.memory_space<semaphore_mem>>) src(%arg9 : memref<40x128xf32, #tpu.memory_space<vmem>>) dst(%dma_wait3A_76 : memref<10000x128xf32, #tpu.memory_space<vmem_shared>>)
      %dma_wait3A_77 = arith.constant 0 : i32
      %dma_wait3A_78 = arith.constant 0 : i32
      %dma_wait3A_79 = tpu.memref_slice %arg8[%dma_wait3A_77, %dma_wait3A_78] : memref<50x40xi32, #tpu.memory_space<vmem>> -> memref<1x40xi32, #tpu.memory_space<vmem>>
      %dma_wait3A_80 = tpu.memref_squeeze %dma_wait3A_79 : memref<1x40xi32, #tpu.memory_space<vmem>> -> memref<40xi32, #tpu.memory_space<vmem>>
      %dma_wait3A_81 = arith.constant 0 : i32
      %dma_wait3A_82 = arith.constant 0 : i32
      %dma_wait3A_83 = tpu.memref_slice %arg15[%dma_wait3A_81, %dma_wait3A_82] : memref<10000x128xf32, #tpu.memory_space<vmem_shared>> -> memref<10000x128xf32, #tpu.memory_space<vmem_shared>>
      tpu.wait_indirect_dma semaphore(%arg23 : memref<!tpu.dma_semaphore, #tpu.memory_space<semaphore_mem>>) src(%arg10 : memref<40x128xf32, #tpu.memory_space<vmem>>) dst(%dma_wait3A_83 : memref<10000x128xf32, #tpu.memory_space<vmem_shared>>)
      %dma_wait3A_84 = arith.constant 0 : i32
      %dma_wait3A_85 = arith.constant 0 : i32
      %dma_wait3A_86 = tpu.memref_slice %arg8[%dma_wait3A_84, %dma_wait3A_85] : memref<50x40xi32, #tpu.memory_space<vmem>> -> memref<1x40xi32, #tpu.memory_space<vmem>>
      %dma_wait3A_87 = tpu.memref_squeeze %dma_wait3A_86 : memref<1x40xi32, #tpu.memory_space<vmem>> -> memref<40xi32, #tpu.memory_space<vmem>>
      %dma_wait3A_88 = arith.constant 0 : i32
      %dma_wait3A_89 = arith.constant 0 : i32
      %dma_wait3A_90 = tpu.memref_slice %arg15[%dma_wait3A_88, %dma_wait3A_89] : memref<10000x128xf32, #tpu.memory_space<vmem_shared>> -> memref<10000x128xf32, #tpu.memory_space<vmem_shared>>
      tpu.wait_indirect_dma semaphore(%arg24 : memref<!tpu.dma_semaphore, #tpu.memory_space<semaphore_mem>>) src(%arg11 : memref<40x128xf32, #tpu.memory_space<vmem>>) dst(%dma_wait3A_90 : memref<10000x128xf32, #tpu.memory_space<vmem_shared>>)
    }
    %scan3A_17 = arith.constant 5 : i32
    %barrier3A_18 = arith.constant 0 : index
    tpu.barrier barrier_id(%barrier3A_18)
    %scan3A_19 = arith.constant 0 : i32
    %scan3A_20 = arith.constant 0 : i32
    %scan3A_21 = arith.constant 16 : i32
    %scan3A_22 = arith.addi %scan3A_20, %scan3A_21 : i32
    %scan3A_23 = arith.constant 1 : i32
    scf.for %scan3A_25 = %scan3A_20 to %scan3A_22 step %scan3A_23  : i32 {
      %mul3A_26 = arith.constant 16 : i32
      %mul3A_27 = arith.muli %scan3A_25, %mul3A_26 : i32
      %add3A_28 = arith.addi %arg1, %mul3A_27 : i32
      %lt3A = arith.constant 250 : i32
      %lt3A_29 = arith.cmpi slt, %add3A_28, %lt3A : i32
      %convert_element_type3A = arith.extui %lt3A_29 : i1 to i32
      %cond3A = arith.constant 0 : i32
      %cond3A_30 = arith.cmpi ne, %convert_element_type3A, %cond3A : i32
      scf.if %cond3A_30 {
        %mul3A_31 = arith.constant 40 : i32
        %mul3A_32 = arith.muli %add3A_28, %mul3A_31 : i32
        "tpu.region"() ({
          %run_scoped3A = tpu.sem_alloc : memref<!tpu.dma_semaphore, #tpu.memory_space<semaphore_mem>>
          %dma_start3A = arith.constant 0 : i32
          %dma_start3A_33 = tpu.memref_slice %arg15[%mul3A_32, %dma_start3A] : memref<10000x128xf32, #tpu.memory_space<vmem_shared>> -> memref<40x128xf32, #tpu.memory_space<vmem_shared>>
          %dma_start3A_34 = arith.constant 0 : i32
          %dma_start3A_35 = tpu.memref_slice %arg15[%mul3A_32, %dma_start3A_34] : memref<10000x128xf32, #tpu.memory_space<vmem_shared>> -> memref<40x128xf32, #tpu.memory_space<vmem_shared>>
          tpu.enqueue_dma source(%dma_start3A_35 : memref<40x128xf32, #tpu.memory_space<vmem_shared>>) target(%arg9 : memref<40x128xf32, #tpu.memory_space<vmem>>) target_semaphore(%run_scoped3A : memref<!tpu.dma_semaphore, #tpu.memory_space<semaphore_mem>>)
          %dma_wait3A = arith.constant 0 : i32
          %dma_wait3A_36 = tpu.memref_slice %arg15[%mul3A_32, %dma_wait3A] : memref<10000x128xf32, #tpu.memory_space<vmem_shared>> -> memref<40x128xf32, #tpu.memory_space<vmem_shared>>
          %dma_wait3A_37 = arith.constant 0 : i32
          %dma_wait3A_38 = tpu.memref_slice %arg15[%mul3A_32, %dma_wait3A_37] : memref<10000x128xf32, #tpu.memory_space<vmem_shared>> -> memref<40x128xf32, #tpu.memory_space<vmem_shared>>
          tpu.wait_dma2 semaphore(%run_scoped3A : memref<!tpu.dma_semaphore, #tpu.memory_space<semaphore_mem>>) src(%dma_wait3A_38 : memref<40x128xf32, #tpu.memory_space<vmem_shared>>) dst(%arg9 : memref<40x128xf32, #tpu.memory_space<vmem>>)
          tpu.yield
        }) : () -> ()
        "tpu.region"() ({
          %run_scoped3A = tpu.sem_alloc : memref<!tpu.dma_semaphore, #tpu.memory_space<semaphore_mem>>
          %dma_start3A = arith.constant 0 : i32
          %dma_start3A_33 = tpu.memref_slice %arg6[%arg0, %mul3A_32, %dma_start3A] : memref<2x10000x128xf32, #tpu.memory_space<hbm>> -> memref<1x40x128xf32, #tpu.memory_space<hbm>>
          %dma_start3A_34 = tpu.memref_squeeze %dma_start3A_33 : memref<1x40x128xf32, #tpu.memory_space<hbm>> -> memref<40x128xf32, #tpu.memory_space<hbm>>
          %dma_start3A_35 = arith.constant 0 : i32
          %dma_start3A_36 = tpu.memref_slice %arg6[%arg0, %mul3A_32, %dma_start3A_35] : memref<2x10000x128xf32, #tpu.memory_space<hbm>> -> memref<1x40x128xf32, #tpu.memory_space<hbm>>
          %dma_start3A_37 = tpu.memref_squeeze %dma_start3A_36 : memref<1x40x128xf32, #tpu.memory_space<hbm>> -> memref<40x128xf32, #tpu.memory_space<hbm>>
          tpu.enqueue_dma source(%arg9 : memref<40x128xf32, #tpu.memory_space<vmem>>) target(%dma_start3A_37 : memref<40x128xf32, #tpu.memory_space<hbm>>) target_semaphore(%run_scoped3A : memref<!tpu.dma_semaphore, #tpu.memory_space<semaphore_mem>>)
          %dma_wait3A = arith.constant 0 : i32
          %dma_wait3A_38 = tpu.memref_slice %arg6[%arg0, %mul3A_32, %dma_wait3A] : memref<2x10000x128xf32, #tpu.memory_space<hbm>> -> memref<1x40x128xf32, #tpu.memory_space<hbm>>
          %dma_wait3A_39 = tpu.memref_squeeze %dma_wait3A_38 : memref<1x40x128xf32, #tpu.memory_space<hbm>> -> memref<40x128xf32, #tpu.memory_space<hbm>>
          %dma_wait3A_40 = arith.constant 0 : i32
          %dma_wait3A_41 = tpu.memref_slice %arg6[%arg0, %mul3A_32, %dma_wait3A_40] : memref<2x10000x128xf32, #tpu.memory_space<hbm>> -> memref<1x40x128xf32, #tpu.memory_space<hbm>>
          %dma_wait3A_42 = tpu.memref_squeeze %dma_wait3A_41 : memref<1x40x128xf32, #tpu.memory_space<hbm>> -> memref<40x128xf32, #tpu.memory_space<hbm>>
          tpu.wait_dma2 semaphore(%run_scoped3A : memref<!tpu.dma_semaphore, #tpu.memory_space<semaphore_mem>>) src(%arg9 : memref<40x128xf32, #tpu.memory_space<vmem>>) dst(%dma_wait3A_42 : memref<40x128xf32, #tpu.memory_space<hbm>>)
          tpu.yield
        }) : () -> ()
      } else {
      }
    }
    %scan3A_24 = arith.constant 16 : i32
    return
  }
}

module attributes {stable_mosaic.version = 14 : i64} {
  func.func @_mlp2_body(%arg0: i32, %arg1: memref<2000x128xbf16, #tpu.memory_space<vmem>>, %arg2: memref<128x128xbf16, #tpu.memory_space<vmem>>, %arg3: memref<1x128xf32, #tpu.memory_space<vmem>>, %arg4: memref<128x128xbf16, #tpu.memory_space<vmem>>, %arg5: memref<1x128xf32, #tpu.memory_space<vmem>>, %arg6: memref<2000x128xf32, #tpu.memory_space<vmem>>) attributes {dimension_semantics = [#tpu.dimension_semantics<arbitrary>], iteration_bounds = array<i64: 5>, scalar_prefetch = 0 : i64, scratch_operands = 0 : i64, tpu.core_type = #tpu.core_type<tc>, window_params = [{transform_indices = @transform_0, window_bounds = array<i64: 2000, 128>}, {pipeline_mode = #tpu.pipeline_mode<synchronous>, transform_indices = @transform_1, window_bounds = array<i64: 128, 128>}, {pipeline_mode = #tpu.pipeline_mode<synchronous>, transform_indices = @transform_2, window_bounds = array<i64: 1, 128>}, {pipeline_mode = #tpu.pipeline_mode<synchronous>, transform_indices = @transform_3, window_bounds = array<i64: 128, 128>}, {pipeline_mode = #tpu.pipeline_mode<synchronous>, transform_indices = @transform_4, window_bounds = array<i64: 1, 128>}, {transform_indices = @transform_5, window_bounds = array<i64: 2000, 128>}]} {
    %get3A = arith.constant 0 : index
    %get3A_0 = arith.constant 0 : index
    %get3A_1 = vector.load %arg1[%get3A, %get3A_0] : memref<2000x128xbf16, #tpu.memory_space<vmem>>, vector<2000x128xbf16>
    %get3A_2 = arith.constant 0 : index
    %get3A_3 = arith.constant 0 : index
    %get3A_4 = vector.load %arg2[%get3A_2, %get3A_3] : memref<128x128xbf16, #tpu.memory_space<vmem>>, vector<128x128xbf16>
    %dot_general3A = arith.constant dense<0.000000e+00> : vector<2000x128xf32>
    %dot_general3A_5 = tpu.matmul %get3A_1, %get3A_4, %dot_general3A {dimension_numbers = #tpu.dot_dimension_numbers<[1], [0], [0], [1], [0, 0, 1, 1], [], []>, transpose_lhs_hint = false} : vector<2000x128xbf16>, vector<128x128xbf16>, vector<2000x128xf32> -> vector<2000x128xf32>
    %get3A_6 = arith.constant 0 : index
    %get3A_7 = arith.constant 0 : index
    %get3A_8 = vector.load %arg3[%get3A_6, %get3A_7] : memref<1x128xf32, #tpu.memory_space<vmem>>, vector<1x128xf32>
    %add3A = vector.broadcast %get3A_8 : vector<1x128xf32> to vector<2000x128xf32>
    %add3A_9 = arith.addf %dot_general3A_5, %add3A : vector<2000x128xf32>
    %mul3A = arith.constant 5.000000e-01 : f32
    %mul3A_10 = vector.broadcast %mul3A : f32 to vector<2000x128xf32>
    %mul3A_11 = arith.mulf %mul3A_10, %add3A_9 : vector<2000x128xf32>
    %mul3A_12 = arith.constant 5.000000e-01 : f32
    %mul3A_13 = vector.broadcast %mul3A_12 : f32 to vector<2000x128xf32>
    %mul3A_14 = arith.mulf %add3A_9, %mul3A_13 : vector<2000x128xf32>
    %tanh3A = math.tanh %mul3A_14 : vector<2000x128xf32>
    %add3A_15 = arith.constant 1.000000e+00 : f32
    %add3A_16 = vector.broadcast %add3A_15 : f32 to vector<2000x128xf32>
    %add3A_17 = arith.addf %tanh3A, %add3A_16 : vector<2000x128xf32>
    %mul3A_18 = arith.mulf %mul3A_11, %add3A_17 : vector<2000x128xf32>
    %convert_element_type3A = arith.truncf %mul3A_18 : vector<2000x128xf32> to vector<2000x128xbf16>
    %get3A_19 = arith.constant 0 : index
    %get3A_20 = arith.constant 0 : index
    %get3A_21 = vector.load %arg4[%get3A_19, %get3A_20] : memref<128x128xbf16, #tpu.memory_space<vmem>>, vector<128x128xbf16>
    %dot_general3A_22 = arith.constant dense<0.000000e+00> : vector<2000x128xf32>
    %dot_general3A_23 = tpu.matmul %convert_element_type3A, %get3A_21, %dot_general3A_22 {dimension_numbers = #tpu.dot_dimension_numbers<[1], [0], [0], [1], [0, 0, 1, 1], [], []>, transpose_lhs_hint = false} : vector<2000x128xbf16>, vector<128x128xbf16>, vector<2000x128xf32> -> vector<2000x128xf32>
    %get3A_24 = arith.constant 0 : index
    %get3A_25 = arith.constant 0 : index
    %get3A_26 = vector.load %arg5[%get3A_24, %get3A_25] : memref<1x128xf32, #tpu.memory_space<vmem>>, vector<1x128xf32>
    %add3A_27 = vector.broadcast %get3A_26 : vector<1x128xf32> to vector<2000x128xf32>
    %add3A_28 = arith.addf %dot_general3A_23, %add3A_27 : vector<2000x128xf32>
    %swap3A = arith.constant 0 : index
    %swap3A_29 = arith.constant 0 : index
    %swap3A_30 = vector.load %arg6[%swap3A, %swap3A_29] : memref<2000x128xf32, #tpu.memory_space<vmem>>, vector<2000x128xf32>
    tpu.vector_store %arg6[%swap3A, %swap3A_29], %add3A_28 {strides = array<i32>} : memref<2000x128xf32, #tpu.memory_space<vmem>>, vector<2000x128xf32>,
    return
  }
  func.func @transform_0(%arg0: i32) -> (i32, i32) {
    %c0_i32 = arith.constant 0 : i32
    %c0_i32_0 = arith.constant 0 : i32
    return %arg0, %c0_i32 : i32, i32
  }
  func.func @transform_1(%arg0: i32) -> (i32, i32) {
    %c0_i32 = arith.constant 0 : i32
    %c0_i32_0 = arith.constant 0 : i32
    %c0_i32_1 = arith.constant 0 : i32
    return %c0_i32, %c0_i32_0 : i32, i32
  }
  func.func @transform_2(%arg0: i32) -> (i32, i32) {
    %c0_i32 = arith.constant 0 : i32
    %c0_i32_0 = arith.constant 0 : i32
    %c0_i32_1 = arith.constant 0 : i32
    return %c0_i32, %c0_i32_0 : i32, i32
  }
  func.func @transform_3(%arg0: i32) -> (i32, i32) {
    %c0_i32 = arith.constant 0 : i32
    %c0_i32_0 = arith.constant 0 : i32
    %c0_i32_1 = arith.constant 0 : i32
    return %c0_i32, %c0_i32_0 : i32, i32
  }
  func.func @transform_4(%arg0: i32) -> (i32, i32) {
    %c0_i32 = arith.constant 0 : i32
    %c0_i32_0 = arith.constant 0 : i32
    %c0_i32_1 = arith.constant 0 : i32
    return %c0_i32, %c0_i32_0 : i32, i32
  }
  func.func @transform_5(%arg0: i32) -> (i32, i32) {
    %c0_i32 = arith.constant 0 : i32
    %c0_i32_0 = arith.constant 0 : i32
    return %arg0, %c0_i32 : i32, i32
  }
}

module attributes {stable_mosaic.version = 14 : i64} {
  func.func @_mlp2_body(%arg0: i32, %arg1: memref<50x6400xf32, #tpu.memory_space<vmem>>, %arg2: memref<50x128xbf16, #tpu.memory_space<vmem>>, %arg3: memref<1x128xf32, #tpu.memory_space<vmem>>, %arg4: memref<128x128xbf16, #tpu.memory_space<vmem>>, %arg5: memref<1x128xf32, #tpu.memory_space<vmem>>, %arg6: memref<6400x64xf32, #tpu.memory_space<vmem>>) attributes {dimension_semantics = [#tpu.dimension_semantics<arbitrary>], iteration_bounds = array<i64: 50>, scalar_prefetch = 0 : i64, scratch_operands = 0 : i64, tpu.core_type = #tpu.core_type<tc>, window_params = [{transform_indices = @transform_0, window_bounds = array<i64: 50, 6400>}, {pipeline_mode = #tpu.pipeline_mode<synchronous>, transform_indices = @transform_1, window_bounds = array<i64: 50, 128>}, {pipeline_mode = #tpu.pipeline_mode<synchronous>, transform_indices = @transform_2, window_bounds = array<i64: 1, 128>}, {pipeline_mode = #tpu.pipeline_mode<synchronous>, transform_indices = @transform_3, window_bounds = array<i64: 128, 128>}, {pipeline_mode = #tpu.pipeline_mode<synchronous>, transform_indices = @transform_4, window_bounds = array<i64: 1, 128>}, {transform_indices = @transform_5, window_bounds = array<i64: 6400, 64>}]} {
    %get3A = arith.constant 0 : index
    %get3A_0 = arith.constant 0 : index
    %get3A_1 = vector.load %arg1[%get3A, %get3A_0] : memref<50x6400xf32, #tpu.memory_space<vmem>>, vector<50x6400xf32>
    %convert_element_type3A = arith.truncf %get3A_1 : vector<50x6400xf32> to vector<50x6400xbf16>
    %get3A_2 = arith.constant 0 : index
    %get3A_3 = arith.constant 0 : index
    %get3A_4 = vector.load %arg2[%get3A_2, %get3A_3] : memref<50x128xbf16, #tpu.memory_space<vmem>>, vector<50x128xbf16>
    %dot_general3A = arith.constant dense<0.000000e+00> : vector<6400x128xf32>
    %dot_general3A_5 = tpu.matmul %convert_element_type3A, %get3A_4, %dot_general3A {dimension_numbers = #tpu.dot_dimension_numbers<[0], [0], [1], [1], [0, 1, 1, 1], [], []>, transpose_lhs_hint = false} : vector<50x6400xbf16>, vector<50x128xbf16>, vector<6400x128xf32> -> vector<6400x128xf32>
    %get3A_6 = arith.constant 0 : index
    %get3A_7 = arith.constant 0 : index
    %get3A_8 = vector.load %arg3[%get3A_6, %get3A_7] : memref<1x128xf32, #tpu.memory_space<vmem>>, vector<1x128xf32>
    %add3A = vector.broadcast %get3A_8 : vector<1x128xf32> to vector<6400x128xf32>
    %add3A_9 = arith.addf %dot_general3A_5, %add3A : vector<6400x128xf32>
    %mul3A = arith.constant 5.000000e-01 : f32
    %mul3A_10 = vector.broadcast %mul3A : f32 to vector<6400x128xf32>
    %mul3A_11 = arith.mulf %mul3A_10, %add3A_9 : vector<6400x128xf32>
    %mul3A_12 = arith.constant 5.000000e-01 : f32
    %mul3A_13 = vector.broadcast %mul3A_12 : f32 to vector<6400x128xf32>
    %mul3A_14 = arith.mulf %add3A_9, %mul3A_13 : vector<6400x128xf32>
    %tanh3A = math.tanh %mul3A_14 : vector<6400x128xf32>
    %add3A_15 = arith.constant 1.000000e+00 : f32
    %add3A_16 = vector.broadcast %add3A_15 : f32 to vector<6400x128xf32>
    %add3A_17 = arith.addf %tanh3A, %add3A_16 : vector<6400x128xf32>
    %mul3A_18 = arith.mulf %mul3A_11, %add3A_17 : vector<6400x128xf32>
    %convert_element_type3A_19 = arith.truncf %mul3A_18 : vector<6400x128xf32> to vector<6400x128xbf16>
    %get3A_20 = arith.constant 0 : index
    %get3A_21 = arith.constant 0 : index
    %get3A_22 = vector.load %arg4[%get3A_20, %get3A_21] : memref<128x128xbf16, #tpu.memory_space<vmem>>, vector<128x128xbf16>
    %dot_general3A_23 = arith.constant dense<0.000000e+00> : vector<6400x128xf32>
    %dot_general3A_24 = tpu.matmul %convert_element_type3A_19, %get3A_22, %dot_general3A_23 {dimension_numbers = #tpu.dot_dimension_numbers<[1], [0], [0], [1], [0, 0, 1, 1], [], []>, transpose_lhs_hint = false} : vector<6400x128xbf16>, vector<128x128xbf16>, vector<6400x128xf32> -> vector<6400x128xf32>
    %get3A_25 = arith.constant 0 : index
    %get3A_26 = arith.constant 0 : index
    %get3A_27 = vector.load %arg5[%get3A_25, %get3A_26] : memref<1x128xf32, #tpu.memory_space<vmem>>, vector<1x128xf32>
    %add3A_28 = vector.broadcast %get3A_27 : vector<1x128xf32> to vector<6400x128xf32>
    %add3A_29 = arith.addf %dot_general3A_24, %add3A_28 : vector<6400x128xf32>
    %slice3A = vector.extract_strided_slice %add3A_29 {offsets = [0, 0], sizes = [6400, 64], strides = [1, 1]} : vector<6400x128xf32> to vector<6400x64xf32>
    %convert_element_type3A_30 = arith.truncf %slice3A : vector<6400x64xf32> to vector<6400x64xbf16>
    %bitcast_convert_type3A = tpu.bitcast %convert_element_type3A_30 : vector<6400x64xbf16> -> vector<6400x64xi16>
    %slice3A_31 = vector.extract_strided_slice %add3A_29 {offsets = [0, 64], sizes = [6400, 64], strides = [1, 1]} : vector<6400x128xf32> to vector<6400x64xf32>
    %convert_element_type3A_32 = arith.truncf %slice3A_31 : vector<6400x64xf32> to vector<6400x64xbf16>
    %bitcast_convert_type3A_33 = tpu.bitcast %convert_element_type3A_32 : vector<6400x64xbf16> -> vector<6400x64xi16>
    %convert_element_type3A_34 = arith.extui %bitcast_convert_type3A : vector<6400x64xi16> to vector<6400x64xi32>
    %convert_element_type3A_35 = arith.extui %bitcast_convert_type3A_33 : vector<6400x64xi16> to vector<6400x64xi32>
    %shift_left3A = arith.constant 16 : i32
    %shift_left3A_36 = vector.broadcast %shift_left3A : i32 to vector<6400x64xi32>
    %shift_left3A_37 = arith.shli %convert_element_type3A_35, %shift_left3A_36 : vector<6400x64xi32>
    %or3A = arith.ori %convert_element_type3A_34, %shift_left3A_37 : vector<6400x64xi32>
    %bitcast_convert_type3A_38 = tpu.bitcast %or3A : vector<6400x64xi32> -> vector<6400x64xf32>
    %swap3A = arith.constant 0 : index
    %swap3A_39 = arith.constant 0 : index
    %swap3A_40 = vector.load %arg6[%swap3A, %swap3A_39] : memref<6400x64xf32, #tpu.memory_space<vmem>>, vector<6400x64xf32>
    tpu.vector_store %arg6[%swap3A, %swap3A_39], %bitcast_convert_type3A_38 {strides = array<i32>} : memref<6400x64xf32, #tpu.memory_space<vmem>>, vector<6400x64xf32>,
    return
  }
  func.func @transform_0(%arg0: i32) -> (i32, i32) {
    %c0_i32 = arith.constant 0 : i32
    %c0_i32_0 = arith.constant 0 : i32
    return %c0_i32, %arg0 : i32, i32
  }
  func.func @transform_1(%arg0: i32) -> (i32, i32) {
    %c0_i32 = arith.constant 0 : i32
    %c0_i32_0 = arith.constant 0 : i32
    %c0_i32_1 = arith.constant 0 : i32
    return %c0_i32, %c0_i32_0 : i32, i32
  }
  func.func @transform_2(%arg0: i32) -> (i32, i32) {
    %c0_i32 = arith.constant 0 : i32
    %c0_i32_0 = arith.constant 0 : i32
    %c0_i32_1 = arith.constant 0 : i32
    return %c0_i32, %c0_i32_0 : i32, i32
  }
  func.func @transform_3(%arg0: i32) -> (i32, i32) {
    %c0_i32 = arith.constant 0 : i32
    %c0_i32_0 = arith.constant 0 : i32
    %c0_i32_1 = arith.constant 0 : i32
    return %c0_i32, %c0_i32_0 : i32, i32
  }
  func.func @transform_4(%arg0: i32) -> (i32, i32) {
    %c0_i32 = arith.constant 0 : i32
    %c0_i32_0 = arith.constant 0 : i32
    %c0_i32_1 = arith.constant 0 : i32
    return %c0_i32, %c0_i32_0 : i32, i32
  }
  func.func @transform_5(%arg0: i32) -> (i32, i32) {
    %c0_i32 = arith.constant 0 : i32
    %c0_i32_0 = arith.constant 0 : i32
    return %arg0, %c0_i32 : i32, i32
  }
}

module attributes {stable_mosaic.version = 14 : i64} {
  func.func @_out_mlp_body(%arg0: i32, %arg1: memref<1000x128xf32, #tpu.memory_space<vmem>>, %arg2: memref<2x1000x128xf32, #tpu.memory_space<vmem>>, %arg3: memref<128x128xf32, #tpu.memory_space<vmem>>, %arg4: memref<1x128xf32, #tpu.memory_space<vmem>>, %arg5: memref<128x128xf32, #tpu.memory_space<vmem>>, %arg6: memref<1x128xf32, #tpu.memory_space<vmem>>, %arg7: memref<1000x128xf32, #tpu.memory_space<vmem>>) attributes {dimension_semantics = [#tpu.dimension_semantics<arbitrary>], iteration_bounds = array<i64: 10>, scalar_prefetch = 0 : i64, scratch_operands = 0 : i64, tpu.core_type = #tpu.core_type<tc>, window_params = [{transform_indices = @transform_0, window_bounds = array<i64: 1000, 128>}, {transform_indices = @transform_1, window_bounds = array<i64: 2, 1000, 128>}, {pipeline_mode = #tpu.pipeline_mode<synchronous>, transform_indices = @transform_2, window_bounds = array<i64: 128, 128>}, {pipeline_mode = #tpu.pipeline_mode<synchronous>, transform_indices = @transform_3, window_bounds = array<i64: 1, 128>}, {pipeline_mode = #tpu.pipeline_mode<synchronous>, transform_indices = @transform_4, window_bounds = array<i64: 128, 128>}, {pipeline_mode = #tpu.pipeline_mode<synchronous>, transform_indices = @transform_5, window_bounds = array<i64: 1, 128>}, {transform_indices = @transform_6, window_bounds = array<i64: 1000, 128>}]} {
    %get3A = arith.constant 0 : index
    %get3A_0 = arith.constant 0 : index
    %get3A_1 = arith.constant 0 : index
    %get3A_2 = vector.load %arg2[%get3A, %get3A_0, %get3A_1] : memref<2x1000x128xf32, #tpu.memory_space<vmem>>, vector<1x1000x128xf32>
    %get3A_3 = vector.shape_cast %get3A_2 : vector<1x1000x128xf32> to vector<1000x128xf32>
    %get3A_4 = arith.constant 1 : index
    %get3A_5 = arith.constant 0 : index
    %get3A_6 = arith.constant 0 : index
    %get3A_7 = vector.load %arg2[%get3A_4, %get3A_5, %get3A_6] : memref<2x1000x128xf32, #tpu.memory_space<vmem>>, vector<1x1000x128xf32>
    %get3A_8 = vector.shape_cast %get3A_7 : vector<1x1000x128xf32> to vector<1000x128xf32>
    %add3A = arith.addf %get3A_3, %get3A_8 : vector<1000x128xf32>
    %get3A_9 = arith.constant 0 : index
    %get3A_10 = arith.constant 0 : index
    %get3A_11 = vector.load %arg3[%get3A_9, %get3A_10] : memref<128x128xf32, #tpu.memory_space<vmem>>, vector<128x128xf32>
    %dot_general3A = arith.constant dense<0.000000e+00> : vector<1000x128xf32>
    %dot_general3A_12 = tpu.matmul %add3A, %get3A_11, %dot_general3A {dimension_numbers = #tpu.dot_dimension_numbers<[1], [0], [0], [1], [0, 0, 1, 1], [], []>, transpose_lhs_hint = false} : vector<1000x128xf32>, vector<128x128xf32>, vector<1000x128xf32> -> vector<1000x128xf32>
    %get3A_13 = arith.constant 0 : index
    %get3A_14 = arith.constant 0 : index
    %get3A_15 = vector.load %arg4[%get3A_13, %get3A_14] : memref<1x128xf32, #tpu.memory_space<vmem>>, vector<1x128xf32>
    %add3A_16 = vector.broadcast %get3A_15 : vector<1x128xf32> to vector<1000x128xf32>
    %add3A_17 = arith.addf %dot_general3A_12, %add3A_16 : vector<1000x128xf32>
    %mul3A = arith.constant 5.000000e-01 : f32
    %mul3A_18 = vector.broadcast %mul3A : f32 to vector<1000x128xf32>
    %mul3A_19 = arith.mulf %mul3A_18, %add3A_17 : vector<1000x128xf32>
    %mul3A_20 = arith.constant 5.000000e-01 : f32
    %mul3A_21 = vector.broadcast %mul3A_20 : f32 to vector<1000x128xf32>
    %mul3A_22 = arith.mulf %add3A_17, %mul3A_21 : vector<1000x128xf32>
    %tanh3A = math.tanh %mul3A_22 : vector<1000x128xf32>
    %add3A_23 = arith.constant 1.000000e+00 : f32
    %add3A_24 = vector.broadcast %add3A_23 : f32 to vector<1000x128xf32>
    %add3A_25 = arith.addf %tanh3A, %add3A_24 : vector<1000x128xf32>
    %mul3A_26 = arith.mulf %mul3A_19, %add3A_25 : vector<1000x128xf32>
    %get3A_27 = arith.constant 0 : index
    %get3A_28 = arith.constant 0 : index
    %get3A_29 = vector.load %arg1[%get3A_27, %get3A_28] : memref<1000x128xf32, #tpu.memory_space<vmem>>, vector<1000x128xf32>
    %get3A_30 = arith.constant 0 : index
    %get3A_31 = arith.constant 0 : index
    %get3A_32 = vector.load %arg5[%get3A_30, %get3A_31] : memref<128x128xf32, #tpu.memory_space<vmem>>, vector<128x128xf32>
    %dot_general3A_33 = arith.constant dense<0.000000e+00> : vector<1000x128xf32>
    %dot_general3A_34 = tpu.matmul %mul3A_26, %get3A_32, %dot_general3A_33 {dimension_numbers = #tpu.dot_dimension_numbers<[1], [0], [0], [1], [0, 0, 1, 1], [], []>, transpose_lhs_hint = false} : vector<1000x128xf32>, vector<128x128xf32>, vector<1000x128xf32> -> vector<1000x128xf32>
    %add3A_35 = arith.addf %get3A_29, %dot_general3A_34 : vector<1000x128xf32>
    %get3A_36 = arith.constant 0 : index
    %get3A_37 = arith.constant 0 : index
    %get3A_38 = vector.load %arg6[%get3A_36, %get3A_37] : memref<1x128xf32, #tpu.memory_space<vmem>>, vector<1x128xf32>
    %add3A_39 = vector.broadcast %get3A_38 : vector<1x128xf32> to vector<1000x128xf32>
    %add3A_40 = arith.addf %add3A_35, %add3A_39 : vector<1000x128xf32>
    %swap3A = arith.constant 0 : index
    %swap3A_41 = arith.constant 0 : index
    %swap3A_42 = vector.load %arg7[%swap3A, %swap3A_41] : memref<1000x128xf32, #tpu.memory_space<vmem>>, vector<1000x128xf32>
    tpu.vector_store %arg7[%swap3A, %swap3A_41], %add3A_40 {strides = array<i32>} : memref<1000x128xf32, #tpu.memory_space<vmem>>, vector<1000x128xf32>,
    return
  }
  func.func @transform_0(%arg0: i32) -> (i32, i32) {
    %c0_i32 = arith.constant 0 : i32
    %c0_i32_0 = arith.constant 0 : i32
    return %arg0, %c0_i32 : i32, i32
  }
  func.func @transform_1(%arg0: i32) -> (i32, i32, i32) {
    %c0_i32 = arith.constant 0 : i32
    %c0_i32_0 = arith.constant 0 : i32
    %c0_i32_1 = arith.constant 0 : i32
    return %c0_i32, %arg0, %c0_i32_0 : i32, i32, i32
  }
  func.func @transform_2(%arg0: i32) -> (i32, i32) {
    %c0_i32 = arith.constant 0 : i32
    %c0_i32_0 = arith.constant 0 : i32
    %c0_i32_1 = arith.constant 0 : i32
    return %c0_i32, %c0_i32_0 : i32, i32
  }
  func.func @transform_3(%arg0: i32) -> (i32, i32) {
    %c0_i32 = arith.constant 0 : i32
    %c0_i32_0 = arith.constant 0 : i32
    %c0_i32_1 = arith.constant 0 : i32
    return %c0_i32, %c0_i32_0 : i32, i32
  }
  func.func @transform_4(%arg0: i32) -> (i32, i32) {
    %c0_i32 = arith.constant 0 : i32
    %c0_i32_0 = arith.constant 0 : i32
    %c0_i32_1 = arith.constant 0 : i32
    return %c0_i32, %c0_i32_0 : i32, i32
  }
  func.func @transform_5(%arg0: i32) -> (i32, i32) {
    %c0_i32 = arith.constant 0 : i32
    %c0_i32_0 = arith.constant 0 : i32
    %c0_i32_1 = arith.constant 0 : i32
    return %c0_i32, %c0_i32_0 : i32, i32
  }
  func.func @transform_6(%arg0: i32) -> (i32, i32) {
    %c0_i32 = arith.constant 0 : i32
    %c0_i32_0 = arith.constant 0 : i32
    return %arg0, %c0_i32 : i32, i32
  }
}

</mosaic_0001>

<sc_bundles>
// kernel: kernel.6.cloned.1.call-start
scs
__scs_entry_jumppad:
0x0: {  	(pc) =	sbr.rel $0x88, $3  }
0x1: {  	(tag) =	ssettag $0x0;
	lr =	simm.s32 $0x1  }
0x2: {  	[smem:$0x3F92] =	sst lr;
	_ =	strace $0xD0000000  }
0x3: {  	_ = 	snop  }
0x4: {  	_ = 	snop  }
0x5: {  	_ = 	snop  }
0x6: {  	_ = 	snop  }
0x7: {  	_ = 	snop  }
__scs_overlays_trampoline_lowered:
0x8: {  	[smem:$0x3FA1] =	sst s0  }
0x9: {  	[smem:$0x3FA2] =	sst s1  }
0xa: {  	[smem:$0x3FA3] =	sst s2  }
0xb: {  	[smem:$0x3FA4] =	sst s3  }
0xc: {  	[smem:$0x3FA5] =	sst s4  }
0xd: {  	[smem:$0x3FA6] =	sst s5  }
0xe: {  	[smem:$0x3FA7] =	sst s6  }
0xf: {  	[smem:$0x3FA8] =	sst s7  }
0x10: {  	[smem:$0x3FA9] =	sst s8  }
0x11: {  	[smem:$0x3FAA] =	sst s9;
	s0 =	simm.s32 @!p0 $0x0  }
0x12: {  	s1 =	sld [smem:$0x3F90];
	s0 =	simm.s32 @p0 $0x1  }
0x13: {  	[smem:$0x3FAB] =	sst s0;
	s0 =	simm.s32 @!p1 $0x0  }
0x14: {  	s2 =	sld [smem:$0x3F8F];
	s0 =	simm.s32 @p1 $0x1  }
0x15: {  	[smem:$0x3FAC] =	sst s0;
	s0 =	simm.s32 @!p2 $0x0  }
0x16: {  	s3 =	sld [smem:$0x3FDB];
	s0 =	simm.s32 @p2 $0x1  }
0x17: {  	s4 =	simm.s32 $0x1BF5;
	[smem:$0x3FAE] =	sst s0  }
0x18: {  	s0 =	sld [smem:$0x3F91];
	_ =	swait.ge [sflag:s4], $0x0  }
0x19: {  	s7 =	sld [smem:$0x3F92]  }
0x1a: {  	s8 =	sadd.s32 $0xFFFFE003, lr  }
0x1b: {  	s9 =	sadd.s32 $0xFFFFFEF7, lr;
	s5 =	simm.s32 $0xFFFFFFFF;
	p2 =	slt.u32 s8, $0xFFFFF086  }
0x1c: {  	p1 =	slt.u32 s9, $0xF7A;
	s5 =	simm.s32 @!p2 $0x0  }
0x1d: {  	s5 =	simm.s32 @p1 $0x1;
	p0 =	seq.s32 s7, s2  }
0x1e: {  	s7 =	smul.u32 @!p0 $0xF7A, s2;
	p2 =	seq.s32 @!p0 s5, $0x0  }
0x1f: {  	s9 =	smul.u32 $0xF7A, s1;
	s8 =	simm.s32 @!p0 $0x1BF5;
	p2 =	por !p2, p0  }
0x20: {  	[sflag:s8] =	ssyncset.s32 @!p0 $0xFFFFF086;
	s6 =	sadd.s32 @!p0 s3, s7;
	s7 =	simm.s32 @!p0 $0x108  }
0x21: {  	s3 =	sadd.s32 s3, s9;
	s6 =	sadd.s32 @!p0 $0x88, s6;
	s7 =	simm.s32 @p2 $0x1082  }
0x22: {  	[simem:s7], [sflag:s8] =	dma.local @!p0 [hbm:s6], $0xF7A  }
0x23: {  	s9 =	sor.u32 $0xD0000000, s2;
	s6 =	simm.s32 $0x108;
	_ =	swait.ge @!p0 [sflag:s8], $0x0  }
0x24: {  	s3 =	sadd.s32 $0x88, s3;
	s6 =	simm.s32 @!p1 $0x1082;
	[sflag:s4] =	ssyncset.s32 $0xFFFFF086  }
0x25: {  	[simem:s6], [sflag:s4] =	dma.local [hbm:s3], $0xF7A  }
0x26: {  	[smem:$0x3F92] =	sst s1;
	(tag) =	ssettag s2;
	_ =	strace s9  }
0x27: {  	s1 =	sld [smem:$0x3FA2]  }
0x28: {  	s2 =	sld [smem:$0x3FA3]  }
0x29: {  	s4 =	sld [smem:$0x3FA5]  }
0x2a: {  	p0 =	seq.s32 s5, $0x0;
	s5 =	sld [smem:$0x3FA6]  }
0x2b: {  	s6 =	sld [smem:$0x3FA7]  }
0x2c: {  	s7 =	sld [smem:$0x3FA8]  }
0x2d: {  	s3 =	simm.s32 $0x108;
	s8 =	sld [smem:$0x3FA9]  }
0x2e: {  	s3 =	simm.s32 @!p0 $0x1082;
	s9 =	sld [smem:$0x3FAA]  }
0x2f: {  	lr =	sadd.s32 s0, s3;
	s0 =	sld [smem:$0x3FA1]  }
0x30: {  	s3 =	sld [smem:$0x3FA4]  }
0x31: {  	[smem:$0x3FAD] =	sst s10  }
0x32: {  	s10 =	sld [smem:$0x3FAB];
	_ =	sdelay $0x3  }
0x33: {  	p0 =	seq.s32 s10, $0x1;
	s10 =	sld [smem:$0x3FAD];
	_ =	sdelay $0x3  }
0x34: {  	[smem:$0x3FAD] =	sst s10  }
0x35: {  	s10 =	sld [smem:$0x3FAC];
	_ =	sdelay $0x3  }
0x36: {  	p1 =	seq.s32 s10, $0x1;
	s10 =	sld [smem:$0x3FAD];
	_ =	sdelay $0x3  }
0x37: {  	[smem:$0x3FAD] =	sst s10  }
0x38: {  	s10 =	sld [smem:$0x3FAE]  }
0x39: {  	_ = 	snop;
	(pc) =	sbr.ind lr, $3  }
0x3a: {  	_ = 	snop  }
0x3b: {  	_ = 	snop  }
0x3c: {  	p2 =	seq.s32 s10, $0x1;
	s10 =	sld [smem:$0x3FAD]  }
0x3d: {  	_ =	shalt  }
0x3e: {  	_ =	shalt  }
0x3f: {  	_ =	shalt  }
0x40: {  	_ =	shalt  }
0x41: {  	_ =	shalt  }
0x42: {  	_ =	shalt  }
0x43: {  	_ =	shalt  }
0x44: {  	_ =	shalt  }
0x45: {  	_ =	shalt  }
0x46: {  	_ =	shalt  }
0x47: {  	_ =	shalt  }
0x48: {  	_ =	shalt  }
0x49: {  	_ =	shalt  }
0x4a: {  	_ =	shalt  }
0x4b: {  	_ =	shalt  }
0x4c: {  	_ =	shalt  }
0x4d: {  	_ =	shalt  }
0x4e: {  	_ =	shalt  }
0x4f: {  	_ =	shalt  }
0x50: {  	_ =	shalt  }
0x51: {  	_ =	shalt  }
0x52: {  	_ =	shalt  }
0x53: {  	_ =	shalt  }
0x54: {  	_ =	shalt  }
0x55: {  	_ =	shalt  }
0x56: {  	_ =	shalt  }
0x57: {  	_ =	shalt  }
0x58: {  	_ =	shalt  }
0x59: {  	_ =	shalt  }
0x5a: {  	_ =	shalt  }
0x5b: {  	_ =	shalt  }
0x5c: {  	_ =	shalt  }
0x5d: {  	_ =	shalt  }
0x5e: {  	_ =	shalt  }
0x5f: {  	_ =	shalt  }
0x60: {  	_ =	shalt  }
0x61: {  	_ =	shalt  }
0x62: {  	_ =	shalt  }
0x63: {  	_ =	shalt  }
0x64: {  	_ =	shalt  }
0x65: {  	_ =	shalt  }
0x66: {  	_ =	shalt  }
0x67: {  	_ =	shalt  }
0x68: {  	_ =	shalt  }
0x69: {  	_ =	shalt  }
0x6a: {  	_ =	shalt  }
0x6b: {  	_ =	shalt  }
0x6c: {  	_ =	shalt  }
0x6d: {  	_ =	shalt  }
0x6e: {  	_ =	shalt  }
0x6f: {  	_ =	shalt  }
0x70: {  	_ =	shalt  }
0x71: {  	_ =	shalt  }
0x72: {  	_ =	shalt  }
0x73: {  	_ =	shalt  }
0x74: {  	_ =	shalt  }
0x75: {  	_ =	shalt  }
0x76: {  	_ =	shalt  }
0x77: {  	_ =	shalt  }
0x78: {  	_ =	shalt  }
0x79: {  	_ =	shalt  }
0x7a: {  	_ =	shalt  }
0x7b: {  	_ =	shalt  }
0x7c: {  	_ =	shalt  }
0x7d: {  	_ =	shalt  }
0x7e: {  	_ =	shalt  }
0x7f: {  	_ =	shalt  }
0x80: {  	_ =	shalt  }
0x81: {  	_ =	shalt  }
0x82: {  	_ =	shalt  }
0x83: {  	_ =	shalt  }
0x84: {  	_ =	shalt  }
0x85: {  	_ =	shalt  }
0x86: {  	_ =	shalt  }
0x87: {  	_ =	shalt  }
.Lfunc_end0:
.L_simem_size_0:
called_computation_lowered:
.L_overlay_start_0:
0x88: {  	s2 =	sld [smem:$0x3FD9]  }
0x89: {  	s3 =	sld [smem:$0x3FFE];
	_ =	sdelay $0x1  }
0x8a: {  	s1 =	srdreg.scid  }
0x8b: {  	s0 =	sand.u32 $0x1, s1  }
0x8c: {  	s17 =	sshll.u32 s0, $0xA;
	s2 =	sadd.s32 s3, s2  }
0x8d: {  	s2 =	sadd.s32 s2, s17  }
0x8e: {  	[smem:$0x3FB9] =	sst s2  }
0x8f: {  	_ = 	snop  }
0x90: {  	s2 =	sld [smem:$0x3FD0];
	(tm) =	ssettm $0x1  }
0x91: {  	s18 =	sld [smem:$0x3FFB];
	_ =	sdelay $0x3  }
0x92: {  	_ =	strace s18  }
0x93: {  	s3 =	sld [smem:$0x3FFC];
	_ =	sdelay $0x3  }
0x94: {  	_ =	strace s3  }
0x95: {  	s3 =	sld [smem:$0x3FFD];
	_ =	sdelay $0x3  }
0x96: {  	_ =	strace s3  }
0x97: {  	_ =	strace $0x8FFFFFFF  }
0x98: {  	s19 =	sld [smem:$0x3FDB];
	_ =	sdelay $0x1  }
0x99: {  	s4 =	simm.s32 $_scs_section_size  }
0x9a: {  	s5 =	simm.s32 $_size__tile_overlayer_lowered;
	s6 =	simm.s32 $_tile_overlayer_lowered  }
0x9b: {  	s22 =	simm.s32 $0x1BFF;
	s21 =	sshll.u32 s6, $0x1;
	s3 =	sadd.s32 s4, s19  }
0x9c: {  	s7 =	simm.s32 $0x0;
	s20 =	sshll.u32 s5, $0x1;
	s5 =	sadd.s32 s21, s3  }
0x9d: {  	[timem:s7], [sflag:s22] =	dma.local [hbm:s5], s20  }
0x9e: {  	_ =	swait.ge [sflag:s22], s20  }
0x9f: {  	s4 =	ssub.s32 $0x0, s20;
	[sflag:s22] =	ssyncset.done $0x0  }
0xa0: {  	[sflag:s22] =	ssyncadd.s32 s4;
	_ =	sdelay $0x1  }
0xa1: {  	s23 =	simm.s32 $0x1B8B  }
0xa2: {  	_ =	swait.ge [sflag:s23], $0x1  }
0xa3: {  	[sflag:s23] =	ssyncset.done $0x0  }
0xa4: {  	s25 =	simm.s32 $0x1B8E;
	s24 =	sld [smem:$0x3FFE];
	[sflag:s23] =	ssyncadd.s32 $0xFFFFFFFF  }
0xa5: {  	s26 =	simm.s32 $execute0_lowered;
	[smem:$0x3FD2] =	sst s25  }
0xa6: {  	s5 =	sshll.u32 s26, $0x1;
	_ =	strace $0x80000046;
	[dreg:$0x1] =	wrdreg $0xFFFFFFFF  }
0xa7: {  	s28 =	simm.s32 $_size_execute0_lowered;
	s3 =	sadd.s32 s3, s5;
	[dreg:$0x0] =	wrdreg $0x0  }
0xa8: {  	s5 =	sshll.u32 s28, $0x1;
	[dreg:$0x2] =	wrdreg s3  }
0xa9: {  	[dreg:$0x3] =	wrdreg s5  }
0xaa: {  	[dreg:$0x4] =	wrdreg $0xC0  }
0xab: {  	_ =	task [dreg:s7], $0x5FFFF  }
0xac: {  	[dreg:$0x1] =	wrdreg $0xFFFFFFFF  }
0xad: {  	[dreg:$0x0] =	wrdreg $0x60  }
0xae: {  	[dreg:$0x2] =	wrdreg s2  }
0xaf: {  	[dreg:$0x3] =	wrdreg s24  }
0xb0: {  	[dreg:$0x4] =	wrdreg $0xB0000  }
0xb1: {  	[dreg:$0x5] =	wrdreg $0x9  }
0xb2: {  	_ =	task.clear_ibuf [dreg:s7], $0x6FFFF;
	_ =	strace $0x90000046  }
0xb3: {  	s29 =	simm.s32 $0x9;
	_ =	strace $0x80000048  }
0xb4: {  	_ =	swait.ge [sflag:s29], $0x1  }
0xb5: {  	[sflag:s29] =	ssyncadd.s32 $0xFFFFFFFF  }
0xb6: {  	_ =	strace $0x90000048  }
0xb7: {  	_ =	sfence  }
0xb8: {  	s30 =	sld [smem:$0x0];
	_ =	sdelay $0x2  }
0xb9: {  	s31 =	sshll.u32 s1, $0xD;
	s1 =	sshrl.u32 s1, $0x2  }
0xba: {  	s3 =	sand.u32 $0x4000, s31;
	s1 =	sadd.s32 s1, s30  }
0xbb: {  	s0 =	sor.u32 s3, s0;
	s1 =	sshll.u32 s1, $0x11  }
0xbc: {  	s0 =	sor.u32 s1, s0  }
0xbd: {  	s0 =	sadd.s32 $0x8F2B, s0  }
0xbe: {  	[sflag:s0] =	ssyncadd.remote.s32 $0x1  }
0xbf: {  	_ =	sfence.sel $0xFFFF  }
0xc0: {  	[dreg:$0x0] =	wrdreg $0xFFFFFFFF;
	(pc) =	sbr.abs _section_cstart, $3  }
0xc1: {  	[dreg:$0x1] =	wrdreg $0xFFFFFFFF  }
0xc2: {  	_ =	task.clear_ibuf [dreg:s7], $0x2FFFF;
	_ =	strace $0x9FFFFFFF  }
0xc3: {  	(tm) =	ssettm $0x7FFFFFFF  }
tec
execute0_lowered:
.L_overlay_start_1:
0x0: {  	(tag) =	ssettag $0x1  }
0x1: {  	s1 =	rddreg [dreg:$0x0]  }
0x2: {  	s0 =	rddreg [dreg:$0x1]  }
0x3: {  	s2 =	rddreg [dreg:$0x2];
	s3 =	srdreg.scid;
	s12 =	simm.s32 $0x0  }
0x4: {  	s13 =	simm.s32 $0xA;
	s15 =	simm.s32 $0x28;
	s16 =	simm.s32 $0x3800  }
0x5: {  	s19 =	simm.s32 $0x4C00;
	s20 =	simm.s32 $0x8800;
	s21 =	simm.s32 $0x3  }
0x6: {  	s22 =	simm.s32 $0x6;
	s23 =	simm.s32 $0x6000;
	s24 =	simm.s32 $0x7  }
0x7: {  	s28 =	simm.s32 $0x2;
	s29 =	simm.s32 $0x5;
	s30 =	simm.s32 $0x1  }
0x8: {  	s4 =	sand.u32 $0x1, s3;
	s3 =	stileid.u32;
	[smem:$0x7FF] =	sst s12  }
0x9: {  	s5 =	sadd.s32 $0x47400, s0;
	s6 =	sadd.s32 $0x24400, s0;
	s7 =	smul.u32 $0x138800, s4  }
0xa: {  	s8 =	smul.u32 $0x1400, s3;
	_ =	strace $0x80000047;
	s9 =	sshll.u32 s3, $0x1  }
0xb: {  	s10 =	ssub.s32 $0x2, s4;
	s11 =	smul.u32 $0x5000, s3;
	s4 =	sor.u32 s4, s9  }
0xc: {  	s25 =	sshrl.u32 s10, $0x1;
	s8 =	sadd.s32 s8, s7;
	s7 =	sadd.s32 $0x1400, s0  }
0xd: {  	s10 =	ssub.s32 s10, s25;
	s9 =	smul.u32 $0x5, s4;
	s8 =	sshrl.u32 s8, $0x3  }
0xe: {  	s26 =	sshrl.u32 s11, $0x2;
	s10 =	smax.u32 s10, $0x1;
	s0 =	sadd.s32 s8, s0  }
0xf: {  	s8 =	smul.u32 $0x8C00, s4;
	[dreg:$0x5] =	wrdreg s10;
	s4 =	sadd.s32 s26, s2  }
0x10: {  	s31 =	simm.s32 $0x4;
	[dreg:$0x6] =	wrdreg s4;
	s0 =	sadd.s32 $0x529400, s0  }
0x11: {  	v0 =	vimm.f32 $0.0e+00;
	s25 =	simm.s32 $0x8;
	s26 =	simm.s32 $0x9;
	[dreg:$0x7] =	wrdreg s0  }
.LBB2_1:
0x12: {  	[dreg:$0x4] =	wrdreg s12;
	s0 =	simm.s32 $0x0;
	s4 =	simm.s32 $0x200  }
.LBB2_2:
0x13: {  	p0 =	sne.s32 s4, $0x4E00;
	[tilespmem:s0+$0x3870] =	vst v0  }
0x14: {  	[tilespmem:s0+$0x3800] =	vst v0  }
0x15: {  	[tilespmem:s0+$0x3810] =	vst v0  }
.Ltmp0:
0x16: {  	[tilespmem:s0+$0x3820] =	vst v0;
	(pc) =	sbr.rel @p0 .LBB2_2-.Ltmp0, $4  }
0x17: {  	[tilespmem:s0+$0x3830] =	vst v0  }
0x18: {  	[tilespmem:s0+$0x3840] =	vst v0  }
0x19: {  	[tilespmem:s0+$0x3850] =	vst v0  }
0x1a: {  	[tilespmem:s0+$0x3860] =	vst v0;
	s0 =	sshra.s32 s4, $0x2;
	s4 =	sadd.s32 $0x200, s4  }
0x1b: {  	[tilespmem:s0+$0x3870] =	vst v0  }
0x1c: {  	[tilespmem:s0+$0x3800] =	vst v0  }
0x1d: {  	[tilespmem:s0+$0x3810] =	vst v0  }
0x1e: {  	[tilespmem:s0+$0x3820] =	vst v0  }
0x1f: {  	[tilespmem:s0+$0x3830] =	vst v0  }
0x20: {  	[tilespmem:s0+$0x3840] =	vst v0;
	s4 =	sadd.s32 $0x0, s3  }
0x21: {  	[tilespmem:s0+$0x3850] =	vst v0;
	p0 =	sgt.u32 s4, $0xF9  }
0x22: {  	[tilespmem:s0+$0x3860] =	vst v0;
	s12 =	rddreg [dreg:$0x6];
	s0 =	simm.s32 @!p0 $0x3800;
	s11 =	simm.s32 @!p0 $0xA  }
0x23: {  	[spmem:s12] =	stream.linear.scatter @!p0 [tilespmem:s0], [sflag:$0xA], $0x1400, $0x38;
	[tilespmem:$0x1E880] =	vst v63  }
0x24: {  	s10 =	simm.s32 $0x20;
	_ =	swait.ge @!p0 [sflag:s11], $0x1400  }
0x25: {  	s4 =	simm.s32 $0x10;
	s0 =	sadd.s32 $0x14000, s12;
	[sflag:s11] =	ssyncset.done @!p0 $0x0  }
.LBB2_4:
0x26: {  	s12 =	sadd.s32 s4, s3;
	s4 =	smov.u32 s10;
	s10 =	sadd.s32 $0x10, s10  }
0x27: {  	[sflag:s11] =	ssyncadd.s32 @!p0 $0xFFFFEC00;
	p1 =	sne.s32 s10, $0x100  }
.Ltmp1:
0x28: {  	p0 =	sgt.u32 s12, $0xF9;
	(pc) =	sbr.rel @p1 .LBB2_4-.Ltmp1, $4  }
0x29: {  	s12 =	simm.s32 @!p0 $0x3800;
	s11 =	simm.s32 @!p0 $0xA  }
0x2a: {  	[spmem:s0] =	stream.linear.scatter @!p0 [tilespmem:s12], [sflag:$0xA], $0x1400, $0x38;
	[tilespmem:$0x1E880] =	vst v63  }
0x2b: {  	_ =	swait.ge @!p0 [sflag:s11], $0x1400  }
0x2c: {  	s0 =	sadd.s32 $0x14000, s0;
	[sflag:s11] =	ssyncset.done @!p0 $0x0  }
0x2d: {  	s4 =	sadd.s32 s4, s3  }
0x2e: {  	p1 =	sgt.u32 s4, $0xF9  }
0x2f: {  	[sflag:s11] =	ssyncadd.s32 @!p0 $0xFFFFEC00;
	s4 =	simm.s32 @!p1 $0x3800;
	s10 =	simm.s32 @!p1 $0xA  }
0x30: {  	[spmem:s0] =	stream.linear.scatter @!p1 [tilespmem:s4], [sflag:$0xA], $0x1400, $0x38;
	[tilespmem:$0x1E880] =	vst v63  }
.Ltmp2:
0x31: {  	_ =	swait.ge @!p1 [sflag:s10], $0x1400;
	(pc) =	sbr.rel .LBB2_6-.Ltmp2, $4  }
0x32: {  	[sflag:s10] =	ssyncset.done @!p1 $0x0  }
0x33: {  	[sflag:s10] =	ssyncadd.s32 @!p1 $0xFFFFEC00  }
0x34: {  	[bflag:$0x0] =	sbarrier.arrive $0xFFFF  }
0x35: {  	s0 =	simm.s32 $0x0;
	s10 =	simm.s32 $0x0  }
.LBB2_19:
0x36: {  	_ =	swait.ge [sflag:s24], $0x1400  }
0x37: {  	[sflag:s24] =	ssyncset.done $0x0  }
0x38: {  	s10 =	sadd.s32 $0x1, s10;
	[sflag:s24] =	ssyncadd.s32 $0xFFFFEC00  }
0x39: {  	p0 =	sne.s32 s10, $0x5;
	_ =	swait.ge [sflag:s25], $0x1400  }
.Ltmp3:
0x3a: {  	[sflag:s25] =	ssyncset.done $0x0;
	(pc) =	sbr.rel @!p0 .LBB2_20-.Ltmp3, $4  }
0x3b: {  	[sflag:s25] =	ssyncadd.s32 $0xFFFFEC00  }
0x3c: {  	_ =	swait.ge [sflag:s26], $0x1400  }
0x3d: {  	[sflag:s26] =	ssyncset.done $0x0  }
0x3e: {  	[sflag:s26] =	ssyncadd.s32 $0xFFFFEC00  }
.LBB2_6:
0x3f: {  	s4 =	smul.u32 $0x1C00, s10;
	_ =	sdelay $0x1  }
0x40: {  	s4 =	sadd.s32 s8, s4  }
0x41: {  	s4 =	sshrl.u32 s4, $0x3  }
0x42: {  	s11 =	sadd.s32 s6, s4  }
0x43: {  	[tilespmem:s0], [sflag:$0xA] =	stream.linear.gather [hbm4b:s11+s0], $0x1900, $0x38;
	[tilespmem:$0x1E880] =	vst v63  }
0x44: {  	_ =	swait.ge [sflag:s13], $0x1900  }
0x45: {  	[sflag:s13] =	ssyncset.done $0x0  }
0x46: {  	s12 =	simm.s32 $0x1C00;
	s4 =	sadd.s32 s7, s4;
	[sflag:s13] =	ssyncadd.s32 $0xFFFFE700  }
0x47: {  	[tilespmem:s12], [sflag:$0xA] =	stream.linear.gather [hbm4b:s4+s0], $0x1900, $0x38;
	[tilespmem:$0x1E880] =	vst v63  }
0x48: {  	_ =	swait.ge [sflag:s13], $0x1900  }
0x49: {  	s4 =	sadd.s32 s9, s10;
	[sflag:s13] =	ssyncset.done $0x0  }
0x4a: {  	s14 =	smul.u32 $0x7D00, s4;
	[sflag:s13] =	ssyncadd.s32 $0xFFFFE700  }
0x4b: {  	[tilespmem:s16], [sflag:$0x1] =	stream.indirect.gather [hbm4b:s1+s15], $0x80, s0, s15, $0xb8;
	[tilespmem:$0x1E880] =	vst v63  }
0x4c: {  	s12 =	simm.s32 $0x7400;
	s17 =	smul.u32 $0x3E800, s4;
	s11 =	sadd.s32 s5, s14  }
0x4d: {  	[tilespmem:s12], [sflag:$0x4] =	stream.linear.gather [hbm4b:s11+s0], $0x1400, $0x38;
	[tilespmem:$0x1E880] =	vst v63  }
0x4e: {  	s11 =	sshrl.u32 s17, $0x3  }
.Ltmp4:
0x4f: {  	s18 =	simm.s32 $0x80;
	s11 =	sadd.s32 s5, s11;
	(pc) =	sbr.rel .LBB2_7-.Ltmp4, $4  }
0x50: {  	[tilespmem:s19], [sflag:$0x2] =	stream.indirect.gather [hbm4b:s1+s15], $0x80, s18, s15, $0xb8;
	[tilespmem:$0x1E880] =	vst v63  }
0x51: {  	s11 =	sadd.s32 $0x280, s11  }
0x52: {  	[tilespmem:s20], [sflag:$0x5] =	stream.linear.gather [hbm4b:s11+s0], $0x1400, $0x38;
	[tilespmem:$0x1E880] =	vst v63  }
0x53: {  	s12 =	smul.u32 $0x32, s4;
	s11 =	simm.s32 $0x0  }
.LBB2_18:
0x54: {  	s11 =	sadd.s32 $0x1, s11  }
0x55: {  	p0 =	sne.s32 s11, $0x32  }
.Ltmp5:
0x56: {  	_ = 	snop;
	(pc) =	sbr.rel @!p0 .LBB2_19-.Ltmp5, $1  }
0x57: {  	_ =	sdelay $0x3  }
.LBB2_7:
0x58: {  	s4 =	smul.u32 $0xAB, s11;
	_ =	sdelay $0x1  }
0x59: {  	s4 =	sshrl.u32 s4, $0x9  }
0x5a: {  	s4 =	sand.u32 $0x7F, s4  }
0x5b: {  	s4 =	smul.u32 $0x3, s4;
	_ =	sdelay $0x1  }
0x5c: {  	s4 =	ssub.s32 s11, s4  }
0x5d: {  	s4 =	sand.u32 $0xFF, s4  }
0x5e: {  	p0 =	seq.s32 s4, $0x2  }
.Ltmp6:
0x5f: {  	_ = 	snop;
	(pc) =	sbr.rel @p0 .LBB2_15-.Ltmp6, $1  }
0x60: {  	_ =	sdelay $0x3  }
0x61: {  	p0 =	seq.s32 s4, $0x1  }
.Ltmp7:
0x62: {  	_ = 	snop;
	(pc) =	sbr.rel @!p0 .LBB2_9-.Ltmp7, $1  }
0x63: {  	_ =	sdelay $0x3  }
0x64: {  	_ =	swait.ge [sflag:s28], $0x1400  }
0x65: {  	[sflag:s28] =	ssyncset.done $0x0  }
0x66: {  	[sflag:s28] =	ssyncadd.s32 $0xFFFFEC00  }
0x67: {  	_ =	swait.ge [sflag:s29], $0x1400  }
0x68: {  	[sflag:s29] =	ssyncset.done $0x0  }
0x69: {  	s4 =	simm.s32 $0x0;
	[sflag:s29] =	ssyncadd.s32 $0xFFFFEC00  }
0x6a: {  	v5 =	vld [tilespmem:s4+$0x8800]  }
0x6b: {  	v3 =	vld [tilespmem:s4+$0x8810]  }
0x6c: {  	v2 =	vld [tilespmem:s4+$0x8820]  }
0x6d: {  	v1 =	vld [tilespmem:s4+$0x8830]  }
0x6e: {  	v9 =	vld [tilespmem:s4+$0x4C00]  }
0x6f: {  	v8 =	vld [tilespmem:s4+$0x4C40]  }
0x70: {  	v7 =	vld [tilespmem:s4+$0x4C10]  }
0x71: {  	v6 =	vld [tilespmem:s4+$0x4C50]  }
0x72: {  	v4 =	vld [tilespmem:s4+$0x4C20];
	v11 =	vunpack.i.l.bf16.f32 v5  }
0x73: {  	s14 =	simm.s32 $0x200;
	v10 =	vunpack.i.u.bf16.f32 v5;
	v5 =	vld [tilespmem:s4+$0x4C60];
	v9 =	vmul.f32 v9, v11  }
.LBB2_13:
0x74: {  	p0 =	sne.s32 s14, $0x4E00;
	v8 =	vmul.f32 v8, v10;
	v10 =	vunpack.i.l.bf16.f32 v3;
	v11 =	vld [tilespmem:s4+$0x4C30]  }
0x75: {  	s17 =	sshra.s32 s14, $0x2;
	v3 =	vunpack.i.u.bf16.f32 v3;
	[tilespmem:s4+$0x4C00] =	vst v9;
	v7 =	vmul.f32 v7, v10;
	v9 =	vld [tilespmem:s4+$0x4C70]  }
0x76: {  	v10 =	vld [tilespmem:s17+$0x8800];
	[tilespmem:s4+$0x4C40] =	vst v8;
	v6 =	vmul.f32 v6, v3;
	v8 =	vunpack.i.l.bf16.f32 v2  }
0x77: {  	v3 =	vld [tilespmem:s17+$0x8810];
	[tilespmem:s4+$0x4C10] =	vst v7;
	v7 =	vunpack.i.u.bf16.f32 v2;
	v4 =	vmul.f32 v4, v8  }
0x78: {  	v2 =	vld [tilespmem:s17+$0x8820];
	[tilespmem:s4+$0x4C50] =	vst v6;
	v5 =	vmul.f32 v5, v7;
	v6 =	vunpack.i.l.bf16.f32 v1  }
0x79: {  	[tilespmem:s4+$0x4C20] =	vst v4;
	v4 =	vunpack.i.u.bf16.f32 v1;
	v1 =	vld [tilespmem:s17+$0x8830];
	v6 =	vmul.f32 v11, v6  }
0x7a: {  	v11 =	vld [tilespmem:s17+$0x4C00];
	[tilespmem:s4+$0x4C60] =	vst v5;
	v4 =	vmul.f32 v9, v4  }
.Ltmp8:
0x7b: {  	v8 =	vld [tilespmem:s17+$0x4C40];
	[tilespmem:s4+$0x4C30] =	vst v6;
	(pc) =	sbr.rel @p0 .LBB2_13-.Ltmp8, $4  }
0x7c: {  	v7 =	vld [tilespmem:s17+$0x4C10];
	[tilespmem:s4+$0x4C70] =	vst v4;
	s4 =	smov.u32 s17  }
0x7d: {  	v6 =	vld [tilespmem:s4+$0x4C50]  }
0x7e: {  	v5 =	vunpack.i.l.bf16.f32 v10;
	v4 =	vld [tilespmem:s4+$0x4C20]  }
0x7f: {  	s14 =	sadd.s32 $0x200, s14;
	v10 =	vunpack.i.u.bf16.f32 v10;
	v9 =	vmul.f32 v11, v5;
	v5 =	vld [tilespmem:s4+$0x4C60]  }
0x80: {  	v11 =	vld [tilespmem:s4+$0x4C30];
	v8 =	vmul.f32 v8, v10;
	v61 =	vunpack.i.l.bf16.f32 v3  }
0x81: {  	v3 =	vunpack.i.u.bf16.f32 v3;
	v62 =	vld [tilespmem:s4+$0x4C70];
	[tilespmem:s4+$0x4C00] =	vst v9;
	v7 =	vmul.f32 v7, v61  }
0x82: {  	v63 =	vunpack.i.l.bf16.f32 v2;
	[tilespmem:s4+$0x4C40] =	vst v8;
	v3 =	vmul.f32 v6, v3  }
0x83: {  	v2 =	vunpack.i.u.bf16.f32 v2;
	[tilespmem:s4+$0x4C10] =	vst v7;
	v4 =	vmul.f32 v4, v63  }
0x84: {  	[tilespmem:s4+$0x4C50] =	vst v3;
	v2 =	vmul.f32 v5, v2;
	v3 =	vunpack.i.l.bf16.f32 v1  }
0x85: {  	s14 =	sshll.u32 s11, $0x7;
	v1 =	vunpack.i.u.bf16.f32 v1;
	[tilespmem:s4+$0x4C20] =	vst v4;
	v3 =	vmul.f32 v11, v3  }
0x86: {  	p0 =	sgt.u32 s11, $0x2F;
	s14 =	sand.u32 $0x3FFFFF80, s14;
	v1 =	vmul.f32 v62, v1;
	[tilespmem:s4+$0x4C60] =	vst v2  }
0x87: {  	s18 =	sadd.s32 $0x1C00, s14;
	s14 =	sadd.s32 @!p0 $0x2, s11;
	[tilespmem:s4+$0x4C30] =	vst v3  }
0x88: {  	s17 =	sshll.u32 @!p0 s14, $0x7;
	s14 =	sadd.s32 @!p0 s12, s14;
	[tilespmem:s4+$0x4C70] =	vst v1;
	s4 =	simm.s32 @!p0 $0x7  }
0x89: {  	[spmem:s2] =	stream.indirect.scatter.add.f32 [tilespmem:s19], [sflag:$0x8], $0x80, s18, s15, $0xb8;
	[tilespmem:$0x1E880] =	vst v63  }
0x8a: {  	s14 =	smul.u32 @!p0 $0x280, s14;
	_ =	swait.ge @!p0 [sflag:s4], $0x1400  }
.Ltmp9:
0x8b: {  	s18 =	simm.s32 @!p0 $0x3800;
	[sflag:s4] =	ssyncset.done @!p0 $0x0;
	(pc) =	sbr.rel .LBB2_18-.Ltmp9, $4  }
0x8c: {  	[sflag:s4] =	ssyncadd.s32 @!p0 $0xFFFFEC00;
	s4 =	sand.u32 @!p0 $0x3FFFFF80, s17;
	s17 =	simm.s32 @!p0 $0x28  }
0x8d: {  	[tilespmem:s18], [sflag:$0x1] =	stream.indirect.gather @!p0 [hbm4b:s1+s17], $0x80, s4, s17, $0xb8;
	[tilespmem:$0x1E880] =	vst v63  }
0x8e: {  	s4 =	sadd.s32 @!p0 s5, s14;
	s14 =	simm.s32 @!p0 $0x0;
	s17 =	simm.s32 @!p0 $0x7400  }
0x8f: {  	[tilespmem:s17], [sflag:$0x4] =	stream.linear.gather @!p0 [hbm4b:s4+s14], $0x1400, $0x38;
	[tilespmem:$0x1E880] =	vst v63  }
.LBB2_15:
0x90: {  	_ =	swait.ge [sflag:s21], $0x1400  }
0x91: {  	[sflag:s21] =	ssyncset.done $0x0  }
0x92: {  	[sflag:s21] =	ssyncadd.s32 $0xFFFFEC00  }
0x93: {  	_ =	swait.ge [sflag:s22], $0x1400  }
0x94: {  	[sflag:s22] =	ssyncset.done $0x0  }
0x95: {  	s4 =	simm.s32 $0x0;
	[sflag:s22] =	ssyncadd.s32 $0xFFFFEC00  }
0x96: {  	v5 =	vld [tilespmem:s4+$0x9C00]  }
0x97: {  	v3 =	vld [tilespmem:s4+$0x9C10]  }
0x98: {  	v2 =	vld [tilespmem:s4+$0x9C20]  }
0x99: {  	v1 =	vld [tilespmem:s4+$0x9C30]  }
0x9a: {  	v9 =	vld [tilespmem:s4+$0x6000]  }
0x9b: {  	v8 =	vld [tilespmem:s4+$0x6040]  }
0x9c: {  	v7 =	vld [tilespmem:s4+$0x6010]  }
0x9d: {  	v6 =	vld [tilespmem:s4+$0x6050]  }
0x9e: {  	v4 =	vld [tilespmem:s4+$0x6020];
	v11 =	vunpack.i.l.bf16.f32 v5  }
0x9f: {  	s14 =	simm.s32 $0x200;
	v10 =	vunpack.i.u.bf16.f32 v5;
	v5 =	vld [tilespmem:s4+$0x6060];
	v9 =	vmul.f32 v9, v11  }
.LBB2_16:
0xa0: {  	p0 =	sne.s32 s14, $0x4E00;
	v8 =	vmul.f32 v8, v10;
	v10 =	vunpack.i.l.bf16.f32 v3;
	v11 =	vld [tilespmem:s4+$0x6030]  }
0xa1: {  	s17 =	sshra.s32 s14, $0x2;
	v3 =	vunpack.i.u.bf16.f32 v3;
	[tilespmem:s4+$0x6000] =	vst v9;
	v7 =	vmul.f32 v7, v10;
	v9 =	vld [tilespmem:s4+$0x6070]  }
0xa2: {  	v10 =	vld [tilespmem:s17+$0x9C00];
	[tilespmem:s4+$0x6040] =	vst v8;
	v6 =	vmul.f32 v6, v3;
	v8 =	vunpack.i.l.bf16.f32 v2  }
0xa3: {  	v3 =	vld [tilespmem:s17+$0x9C10];
	[tilespmem:s4+$0x6010] =	vst v7;
	v7 =	vunpack.i.u.bf16.f32 v2;
	v4 =	vmul.f32 v4, v8  }
0xa4: {  	v2 =	vld [tilespmem:s17+$0x9C20];
	[tilespmem:s4+$0x6050] =	vst v6;
	v5 =	vmul.f32 v5, v7;
	v6 =	vunpack.i.l.bf16.f32 v1  }
0xa5: {  	[tilespmem:s4+$0x6020] =	vst v4;
	v4 =	vunpack.i.u.bf16.f32 v1;
	v1 =	vld [tilespmem:s17+$0x9C30];
	v6 =	vmul.f32 v11, v6  }
0xa6: {  	v11 =	vld [tilespmem:s17+$0x6000];
	[tilespmem:s4+$0x6060] =	vst v5;
	v4 =	vmul.f32 v9, v4  }
.Ltmp10:
0xa7: {  	v8 =	vld [tilespmem:s17+$0x6040];
	[tilespmem:s4+$0x6030] =	vst v6;
	(pc) =	sbr.rel @p0 .LBB2_16-.Ltmp10, $4  }
0xa8: {  	v7 =	vld [tilespmem:s17+$0x6010];
	[tilespmem:s4+$0x6070] =	vst v4;
	s4 =	smov.u32 s17  }
0xa9: {  	v6 =	vld [tilespmem:s4+$0x6050]  }
0xaa: {  	v5 =	vunpack.i.l.bf16.f32 v10;
	v4 =	vld [tilespmem:s4+$0x6020]  }
0xab: {  	s14 =	sadd.s32 $0x200, s14;
	v10 =	vunpack.i.u.bf16.f32 v10;
	v9 =	vmul.f32 v11, v5;
	v5 =	vld [tilespmem:s4+$0x6060]  }
0xac: {  	v11 =	vld [tilespmem:s4+$0x6030];
	v8 =	vmul.f32 v8, v10;
	v61 =	vunpack.i.l.bf16.f32 v3  }
0xad: {  	v3 =	vunpack.i.u.bf16.f32 v3;
	v62 =	vld [tilespmem:s4+$0x6070];
	[tilespmem:s4+$0x6000] =	vst v9;
	v7 =	vmul.f32 v7, v61  }
0xae: {  	v63 =	vunpack.i.l.bf16.f32 v2;
	[tilespmem:s4+$0x6040] =	vst v8;
	v3 =	vmul.f32 v6, v3  }
0xaf: {  	v2 =	vunpack.i.u.bf16.f32 v2;
	[tilespmem:s4+$0x6010] =	vst v7;
	v4 =	vmul.f32 v4, v63  }
0xb0: {  	[tilespmem:s4+$0x6050] =	vst v3;
	v2 =	vmul.f32 v5, v2;
	v3 =	vunpack.i.l.bf16.f32 v1  }
0xb1: {  	s14 =	sshll.u32 s11, $0x7;
	p0 =	sgt.u32 s11, $0x2F;
	v1 =	vunpack.i.u.bf16.f32 v1;
	[tilespmem:s4+$0x6020] =	vst v4;
	v3 =	vmul.f32 v11, v3  }
0xb2: {  	s14 =	sand.u32 $0x3FFFFF80, s14;
	p1 =	seq.s32 @!p0 s11, $0x0;
	v1 =	vmul.f32 v62, v1;
	[tilespmem:s4+$0x6060] =	vst v2  }
0xb3: {  	s18 =	sadd.s32 $0x1C00, s14;
	p1 =	por p1, p0;
	s14 =	sadd.s32 $0x2, s11;
	[tilespmem:s4+$0x6030] =	vst v3  }
0xb4: {  	s17 =	sshll.u32 @!p0 s14, $0x7;
	s14 =	sadd.s32 @!p0 s12, s14;
	[tilespmem:s4+$0x6070] =	vst v1;
	s4 =	simm.s32 @!p1 $0x8  }
0xb5: {  	[spmem:s2] =	stream.indirect.scatter.add.f32 [tilespmem:s23], [sflag:$0x9], $0x80, s18, s15, $0xb8;
	[tilespmem:$0x1E880] =	vst v63  }
0xb6: {  	s14 =	smul.u32 @!p0 $0x280, s14;
	_ =	swait.ge @!p1 [sflag:s4], $0x1400  }
.Ltmp11:
0xb7: {  	s18 =	simm.s32 @!p0 $0x4C00;
	[sflag:s4] =	ssyncset.done @!p1 $0x0;
	(pc) =	sbr.rel .LBB2_18-.Ltmp11, $4  }
0xb8: {  	[sflag:s4] =	ssyncadd.s32 @!p1 $0xFFFFEC00;
	s4 =	sand.u32 @!p0 $0x3FFFFF80, s17;
	s17 =	simm.s32 @!p0 $0x28  }
0xb9: {  	[tilespmem:s18], [sflag:$0x2] =	stream.indirect.gather @!p0 [hbm4b:s1+s17], $0x80, s4, s17, $0xb8;
	[tilespmem:$0x1E880] =	vst v63  }
0xba: {  	s4 =	sadd.s32 @!p0 s5, s14;
	s14 =	simm.s32 @!p0 $0x0;
	s17 =	simm.s32 @!p0 $0x8800  }
0xbb: {  	[tilespmem:s17], [sflag:$0x5] =	stream.linear.gather @!p0 [hbm4b:s4+s14], $0x1400, $0x38;
	[tilespmem:$0x1E880] =	vst v63  }
.LBB2_9:
0xbc: {  	_ =	swait.ge [sflag:s30], $0x1400  }
0xbd: {  	[sflag:s30] =	ssyncset.done $0x0  }
0xbe: {  	[sflag:s30] =	ssyncadd.s32 $0xFFFFEC00  }
0xbf: {  	_ =	swait.ge [sflag:s31], $0x1400  }
0xc0: {  	[sflag:s31] =	ssyncset.done $0x0  }
0xc1: {  	s4 =	simm.s32 $0x0;
	[sflag:s31] =	ssyncadd.s32 $0xFFFFEC00  }
0xc2: {  	v5 =	vld [tilespmem:s4+$0x7400]  }
0xc3: {  	v3 =	vld [tilespmem:s4+$0x7410]  }
0xc4: {  	v2 =	vld [tilespmem:s4+$0x7420]  }
0xc5: {  	v1 =	vld [tilespmem:s4+$0x7430]  }
0xc6: {  	v9 =	vld [tilespmem:s4+$0x3800]  }
0xc7: {  	v8 =	vld [tilespmem:s4+$0x3840]  }
0xc8: {  	v7 =	vld [tilespmem:s4+$0x3810]  }
0xc9: {  	v6 =	vld [tilespmem:s4+$0x3850]  }
0xca: {  	v4 =	vld [tilespmem:s4+$0x3820];
	v11 =	vunpack.i.l.bf16.f32 v5  }
0xcb: {  	s14 =	simm.s32 $0x200;
	v10 =	vunpack.i.u.bf16.f32 v5;
	v5 =	vld [tilespmem:s4+$0x3860];
	v9 =	vmul.f32 v9, v11  }
.LBB2_10:
0xcc: {  	p0 =	sne.s32 s14, $0x4E00;
	v8 =	vmul.f32 v8, v10;
	v10 =	vunpack.i.l.bf16.f32 v3;
	v11 =	vld [tilespmem:s4+$0x3830]  }
0xcd: {  	s17 =	sshra.s32 s14, $0x2;
	v3 =	vunpack.i.u.bf16.f32 v3;
	[tilespmem:s4+$0x3800] =	vst v9;
	v7 =	vmul.f32 v7, v10;
	v9 =	vld [tilespmem:s4+$0x3870]  }
0xce: {  	v10 =	vld [tilespmem:s17+$0x7400];
	[tilespmem:s4+$0x3840] =	vst v8;
	v6 =	vmul.f32 v6, v3;
	v8 =	vunpack.i.l.bf16.f32 v2  }
0xcf: {  	v3 =	vld [tilespmem:s17+$0x7410];
	[tilespmem:s4+$0x3810] =	vst v7;
	v7 =	vunpack.i.u.bf16.f32 v2;
	v4 =	vmul.f32 v4, v8  }
0xd0: {  	v2 =	vld [tilespmem:s17+$0x7420];
	[tilespmem:s4+$0x3850] =	vst v6;
	v5 =	vmul.f32 v5, v7;
	v6 =	vunpack.i.l.bf16.f32 v1  }
0xd1: {  	[tilespmem:s4+$0x3820] =	vst v4;
	v4 =	vunpack.i.u.bf16.f32 v1;
	v1 =	vld [tilespmem:s17+$0x7430];
	v6 =	vmul.f32 v11, v6  }
0xd2: {  	v11 =	vld [tilespmem:s17+$0x3800];
	[tilespmem:s4+$0x3860] =	vst v5;
	v4 =	vmul.f32 v9, v4  }
.Ltmp12:
0xd3: {  	v8 =	vld [tilespmem:s17+$0x3840];
	[tilespmem:s4+$0x3830] =	vst v6;
	(pc) =	sbr.rel @p0 .LBB2_10-.Ltmp12, $4  }
0xd4: {  	v7 =	vld [tilespmem:s17+$0x3810];
	[tilespmem:s4+$0x3870] =	vst v4;
	s4 =	smov.u32 s17  }
0xd5: {  	v6 =	vld [tilespmem:s4+$0x3850]  }
0xd6: {  	v5 =	vunpack.i.l.bf16.f32 v10;
	v4 =	vld [tilespmem:s4+$0x3820]  }
0xd7: {  	s14 =	sadd.s32 $0x200, s14;
	v10 =	vunpack.i.u.bf16.f32 v10;
	v9 =	vmul.f32 v11, v5;
	v5 =	vld [tilespmem:s4+$0x3860]  }
0xd8: {  	v11 =	vld [tilespmem:s4+$0x3830];
	v8 =	vmul.f32 v8, v10;
	v61 =	vunpack.i.l.bf16.f32 v3  }
0xd9: {  	v3 =	vunpack.i.u.bf16.f32 v3;
	v62 =	vld [tilespmem:s4+$0x3870];
	[tilespmem:s4+$0x3800] =	vst v9;
	v7 =	vmul.f32 v7, v61  }
0xda: {  	v63 =	vunpack.i.l.bf16.f32 v2;
	[tilespmem:s4+$0x3840] =	vst v8;
	v3 =	vmul.f32 v6, v3  }
0xdb: {  	v2 =	vunpack.i.u.bf16.f32 v2;
	[tilespmem:s4+$0x3810] =	vst v7;
	v4 =	vmul.f32 v4, v63  }
0xdc: {  	[tilespmem:s4+$0x3850] =	vst v3;
	v2 =	vmul.f32 v5, v2;
	v3 =	vunpack.i.l.bf16.f32 v1  }
0xdd: {  	s14 =	sshll.u32 s11, $0x7;
	p0 =	sgt.u32 s11, $0x2F;
	v1 =	vunpack.i.u.bf16.f32 v1;
	[tilespmem:s4+$0x3820] =	vst v4;
	v3 =	vmul.f32 v11, v3  }
0xde: {  	s14 =	sand.u32 $0x3FFFFF80, s14;
	p1 =	seq.s32 @!p0 s11, $0x0;
	v1 =	vmul.f32 v62, v1;
	[tilespmem:s4+$0x3860] =	vst v2  }
0xdf: {  	s18 =	sadd.s32 $0x1C00, s14;
	p1 =	por p1, p0;
	s14 =	sadd.s32 $0x2, s11;
	[tilespmem:s4+$0x3830] =	vst v3  }
0xe0: {  	s17 =	sshll.u32 @!p0 s14, $0x7;
	s14 =	sadd.s32 @!p0 s12, s14;
	[tilespmem:s4+$0x3870] =	vst v1;
	s4 =	simm.s32 @!p1 $0x9  }
0xe1: {  	[spmem:s2] =	stream.indirect.scatter.add.f32 [tilespmem:s16], [sflag:$0x7], $0x80, s18, s15, $0xb8;
	[tilespmem:$0x1E880] =	vst v63  }
0xe2: {  	s14 =	smul.u32 @!p0 $0x280, s14;
	_ =	swait.ge @!p1 [sflag:s4], $0x1400  }
.Ltmp13:
0xe3: {  	s18 =	simm.s32 @!p0 $0x6000;
	[sflag:s4] =	ssyncset.done @!p1 $0x0;
	(pc) =	sbr.rel .LBB2_18-.Ltmp13, $4  }
0xe4: {  	[sflag:s4] =	ssyncadd.s32 @!p1 $0xFFFFEC00;
	s4 =	sand.u32 @!p0 $0x3FFFFF80, s17;
	s17 =	simm.s32 @!p0 $0x28  }
0xe5: {  	[tilespmem:s18], [sflag:$0x3] =	stream.indirect.gather @!p0 [hbm4b:s1+s17], $0x80, s4, s17, $0xb8;
	[tilespmem:$0x1E880] =	vst v63  }
0xe6: {  	s4 =	sadd.s32 @!p0 s5, s14;
	s14 =	simm.s32 @!p0 $0x0;
	s17 =	simm.s32 @!p0 $0x9C00  }
0xe7: {  	[tilespmem:s17], [sflag:$0x6] =	stream.linear.gather @!p0 [hbm4b:s4+s14], $0x1400, $0x38;
	[tilespmem:$0x1E880] =	vst v63  }
.LBB2_20:
0xe8: {  	s0 =	sadd.s32 $0x0, s3;
	[bflag:$0x0] =	sbarrier.arrive $0xFFFF  }
0xe9: {  	p0 =	sgt.u32 s0, $0xF9;
	s12 =	rddreg [dreg:$0x6]  }
0xea: {  	s0 =	simm.s32 @!p0 $0x3800;
	s10 =	simm.s32 @!p0 $0xB;
	p0 =	por p0, p0  }
0xeb: {  	[tilespmem:s0], [sflag:$0xB] =	stream.linear.gather @!p0 [spmem:s12], $0x1400, $0x38;
	[tilespmem:$0x1E880] =	vst v63  }
0xec: {  	_ =	swait.ge @!p0 [sflag:s10], $0x1400  }
0xed: {  	s18 =	sadd.s32 $0x10, s3;
	s11 =	simm.s32 @!p0 $0xA;
	[sflag:s10] =	ssyncset.done @!p0 $0x0  }
0xee: {  	s14 =	rddreg [dreg:$0x7];
	[sflag:s10] =	ssyncadd.s32 @!p0 $0xFFFFEC00;
	s10 =	simm.s32 @!p0 $0x0  }
0xef: {  	[hbm4b:s14+s10] =	stream.linear.scatter @!p0 [tilespmem:s0], [sflag:$0xA], $0x1400, $0x38;
	[tilespmem:$0x1E880] =	vst v63  }
0xf0: {  	s4 =	simm.s32 $0x20;
	p1 =	sgt.u32 s18, $0xF9;
	_ =	swait.ge @!p0 [sflag:s11], $0x1400  }
0xf1: {  	s0 =	sadd.s32 $0x2800, s14;
	s10 =	sadd.s32 $0x14000, s12;
	[sflag:s11] =	ssyncset.done @!p0 $0x0  }
.LBB2_21:
0xf2: {  	s12 =	simm.s32 @!p1 $0x3800;
	s14 =	simm.s32 @!p1 $0xB;
	[sflag:s11] =	ssyncadd.s32 @!p0 $0xFFFFEC00  }
0xf3: {  	s17 =	smov.u32 s4;
	p0 =	por p1, p1;
	s4 =	sadd.s32 $0x10, s4  }
0xf4: {  	[tilespmem:s12], [sflag:$0xB] =	stream.linear.gather @!p0 [spmem:s10], $0x1400, $0x38;
	[tilespmem:$0x1E880] =	vst v63  }
0xf5: {  	p2 =	sne.s32 s4, $0x100;
	_ =	swait.ge @!p0 [sflag:s14], $0x1400  }
.Ltmp14:
0xf6: {  	[sflag:s14] =	ssyncset.done @!p0 $0x0;
	(pc) =	sbr.rel @p2 .LBB2_21-.Ltmp14, $4  }
0xf7: {  	s11 =	simm.s32 @!p0 $0xA;
	[sflag:s14] =	ssyncadd.s32 @!p0 $0xFFFFEC00;
	s14 =	simm.s32 @!p0 $0x0  }
0xf8: {  	[hbm4b:s0+s14] =	stream.linear.scatter @!p0 [tilespmem:s12], [sflag:$0xA], $0x1400, $0x38;
	[tilespmem:$0x1E880] =	vst v63  }
0xf9: {  	s12 =	sadd.s32 s17, s3;
	s0 =	sadd.s32 $0x2800, s0;
	_ =	swait.ge @!p0 [sflag:s11], $0x1400  }
0xfa: {  	s10 =	sadd.s32 $0x14000, s10;
	p1 =	sgt.u32 s12, $0xF9;
	[sflag:s11] =	ssyncset.done @!p0 $0x0  }
0xfb: {  	s4 =	simm.s32 @!p1 $0x3800  }
0xfc: {  	s12 =	simm.s32 @!p1 $0xB;
	[sflag:s11] =	ssyncadd.s32 @!p0 $0xFFFFEC00;
	p0 =	por p1, p1  }
0xfd: {  	[tilespmem:s4], [sflag:$0xB] =	stream.linear.gather @!p0 [spmem:s10], $0x1400, $0x38;
	[tilespmem:$0x1E880] =	vst v63  }
0xfe: {  	_ =	swait.ge @!p0 [sflag:s12], $0x1400  }
0xff: {  	[sflag:s12] =	ssyncset.done @!p0 $0x0  }
0x100: {  	s10 =	simm.s32 @!p0 $0x0;
	s11 =	simm.s32 @!p0 $0xA;
	[sflag:s12] =	ssyncadd.s32 @!p0 $0xFFFFEC00  }
0x101: {  	[hbm4b:s0+s10] =	stream.linear.scatter @!p0 [tilespmem:s4], [sflag:$0xA], $0x1400, $0x38;
	[tilespmem:$0x1E880] =	vst v63  }
0x102: {  	_ =	swait.ge @!p0 [sflag:s11], $0x1400  }
0x103: {  	s17 =	rddreg [dreg:$0x4]  }
0x104: {  	s18 =	rddreg [dreg:$0x5];
	s12 =	sadd.s32 $0x1, s17  }
0x105: {  	p1 =	sne.s32 s12, s18  }
.Ltmp15:
0x106: {  	_ = 	snop;
	(pc) =	sbr.rel @p1 .LBB2_1-.Ltmp15, $3  }
0x107: {  	_ =	sdelay $0x1  }
0x108: {  	[sflag:s11] =	ssyncset.done @!p0 $0x0  }
0x109: {  	[sflag:s11] =	ssyncadd.s32 @!p0 $0xFFFFEC00  }
0x10a: {  	_ =	sfence.sel $0x180000  }
0x10b: {  	[bflag:$0x0] =	sbarrier.arrive $0xFFFF  }
0x10c: {  	_ =	strace $0x90000047  }
0x10d: {  	[bflag:$0x2] =	sbarrier.arrive $0xFFFF  }
0x10e: {  	p0 =	sne.s32 s3, $0x0;
	s0 =	rddreg [dreg:$0x3]  }
0x10f: {  	s0 =	sadd.s32 @!p0 $0x100000, s0  }
0x110: {  	[sflag:s0] =	ssyncadd.tile.s32 @!p0 $0x1;
	_ =	shalt  }
.Lfunc_end2:
_tile_overlayer_lowered:
.L_overlay_start_2:
0x111: {  	(tag) =	ssettag $0x2  }
0x112: {  	s0 =	rddreg [dreg:$0x0];
	s2 =	stileid.u32  }
0x113: {  	s1 =	rddreg [dreg:$0x1];
	p0 =	sne.s32 s2, $0x0  }
0x114: {  	s3 =	rddreg [dreg:$0x2];
	[bflag:$0x3] =	sbarrier.arrive $0xFFFF;
	s2 =	simm.s32 @!p0 $0x1C0A  }
0x115: {  	[timem:s3], [sflag:s2] =	dma.local @!p0 [hbm:s0], s1  }
0x116: {  	s0 =	simm.s32 @!p0 $0xA  }
0x117: {  	_ =	swait.ge @!p0 [sflag:s0], s1  }
0x118: {  	s1 =	ssub.s32 @!p0 $0x0, s1;
	[sflag:s0] =	ssyncset.done @!p0 $0x0  }
0x119: {  	[sflag:s0] =	ssyncadd.s32 @!p0 s1  }
0x11a: {  	[bflag:$0x3] =	sbarrier.arrive $0xFFFF  }
0x11b: {  	_ =	shalt  }

</sc_bundles>
